<compile_context>
chip_gen: v7x
topology: tpu7x:2x2x1
jax: 0.10.2.dev20260603
libtpu: 0.0.44.dev20260713+nightly
codegen_flags: <defaults>
</compile_context>

<pallas_src>
import functools

import jax
import jax.numpy as jnp
from jax import lax
from jax.experimental import pallas as pl
from jax.experimental.pallas import tpu as pltpu
from jax.experimental.pallas import tpu_sc as plsc

VOCAB = 1000000
CONTEXT = 20
EMBED = 64
BATCH = 16384

NC = 2
NS = 16
NW = NC * NS
ROWS_W = BATCH // NW
CHUNK_B = 4
CHUNK_R = CHUNK_B * CONTEXT
NCHUNK = ROWS_W // CHUNK_B

VT = 8192
GRID_T = (VOCAB + VT - 1) // VT


def _ctx_sums(inputs, emb_table):
  mesh = plsc.VectorSubcoreMesh(core_axis_name="c", subcore_axis_name="s")

  @functools.partial(
      pl.kernel,
      mesh=mesh,
      out_type=jax.ShapeDtypeStruct((NC, CONTEXT, EMBED), jnp.float32),
      compiler_params=pltpu.CompilerParams(use_tc_tiling_on_sc=False),
      scratch_types=[
          pltpu.VMEM((ROWS_W, CONTEXT), jnp.int32),
          pltpu.VMEM((ROWS_W * CONTEXT,), jnp.int32),
          pltpu.VMEM((CHUNK_R,), jnp.int32),
          pltpu.VMEM((CHUNK_R, EMBED), jnp.float32),
          pltpu.VMEM((CHUNK_R, EMBED), jnp.float32),
          pltpu.VMEM((CONTEXT, EMBED), jnp.float32),
          pltpu.VMEM_SHARED((CONTEXT, EMBED), jnp.float32),
          pltpu.SemaphoreType.DMA,
          pltpu.SemaphoreType.DMA,
      ],
  )
  def k(idx_hbm, emb_hbm, out_hbm,
        idx_v2, idx_v, lidx_v, buf_a, buf_b, zero_v, acc_sh, sem_a, sem_b):
    c = lax.axis_index("c")
    s = lax.axis_index("s")
    wid = s * NC + c
    pltpu.sync_copy(idx_hbm.at[pl.ds(wid * ROWS_W, ROWS_W), :], idx_v2)
    def flat_body(r, carry):
      v0 = idx_v2[r, pl.ds(0, 16)]
      v1 = idx_v2[r, pl.ds(CONTEXT - 16, 16)]
      idx_v[pl.ds(r * CONTEXT, 16)] = v0
      idx_v[pl.ds(r * CONTEXT + CONTEXT - 16, 16)] = v1
      return carry

    lax.fori_loop(0, ROWS_W, flat_body, 0)
    for q in range(CHUNK_R // 16):
      lidx_v[pl.ds(q * 16, 16)] = lax.rem(
          lax.iota(jnp.int32, 16) + q * 16, CONTEXT)
    for l in range(CONTEXT):
      for q in range(EMBED // 16):
        zero_v[l, pl.ds(q * 16, 16)] = jnp.zeros((16,), jnp.float32)

    @pl.when(s == 0)
    def _():
      pltpu.sync_copy(zero_v, acc_sh)

    plsc.subcore_barrier()

    def gather(kk, buf, sem):
      return pltpu.make_async_copy(
          emb_hbm.at[idx_v.at[pl.ds(kk * CHUNK_R, CHUNK_R)]], buf, sem)

    gather(0, buf_a, sem_a).start()

    def body(i, carry):
      k0 = 2 * i
      gather(k0 + 1, buf_b, sem_b).start()
      gather(k0, buf_a, sem_a).wait()
      pltpu.sync_copy(buf_a, acc_sh.at[lidx_v], add=True)

      @pl.when(i + 1 < NCHUNK // 2)
      def _():
        gather(k0 + 2, buf_a, sem_a).start()

      gather(k0 + 1, buf_b, sem_b).wait()
      pltpu.sync_copy(buf_b, acc_sh.at[lidx_v], add=True)
      return carry

    lax.fori_loop(0, NCHUNK // 2, body, 0)

    plsc.subcore_barrier()

    @pl.when(s == 0)
    def _():
      pltpu.sync_copy(acc_sh, out_hbm.at[c])

  return k(inputs, emb_table)


def _pass_a(partials, lin_w, lin_b2):

  def body(p_ref, w_ref, b_ref, out_ref, st_ref, h_s, m_s, s_s, w_buf,
           sem_w0, sem_w1):
    i = pl.program_id(0)
    sems = (sem_w0, sem_w1)

    def base_of(j):
      return jnp.minimum(j * VT, VOCAB - VT)

    def w_dma(j, slot):
      return pltpu.make_async_copy(
          w_ref.at[pl.ds(base_of(j), VT), :], w_buf.at[slot], sems[slot])

    def start_slot(j):
      for slot in (0, 1):
        @pl.when(lax.rem(j, 2) == slot)
        def _():
          w_dma(j, slot).start()

    @pl.when(i == 0)
    def _():
      h_s[...] = jnp.tanh((p_ref[0] + p_ref[1]) * (1.0 / BATCH))

    @pl.when(i == 0)
    def _():
      start_slot(0)

    @pl.when(i + 1 < GRID_T)
    def _():
      start_slot(i + 1)

    for slot in (0, 1):
      @pl.when(lax.rem(i, 2) == slot)
      def _():
        w_dma(i, slot).wait()
    par = lax.rem(i, 2) == 0
    w = jnp.where(par, w_buf[0], w_buf[1])
    off = i * VT - base_of(i)

    logits = lax.dot_general(h_s[...], w, (((1,), (1,)), ((), ())),
                             preferred_element_type=jnp.float32)
    logits = logits + pltpu.roll(b_ref[...], off, 1)
    colk = lax.broadcasted_iota(jnp.int32, (CONTEXT, VT), 1)
    logits = jnp.where(colk >= off, logits, -jnp.inf)
    out_ref[...] = pltpu.roll(logits, VT - off, 1)
    tmax = jnp.max(logits, axis=1, keepdims=True)

    @pl.when(i == 0)
    def _():
      m_s[...] = tmax
      s_s[...] = jnp.sum(jnp.exp(logits - tmax), axis=1, keepdims=True)

    @pl.when(i > 0)
    def _():
      m_old = m_s[...]
      m_new = jnp.maximum(m_old, tmax)
      s_s[...] = s_s[...] * jnp.exp(m_old - m_new) + jnp.sum(
          jnp.exp(logits - m_new), axis=1, keepdims=True)
      m_s[...] = m_new

    st_ref[...] = m_s[...] + jnp.log(s_s[...])

  return pl.pallas_call(
      body,
      grid=(GRID_T,),
      in_specs=[
          pl.BlockSpec((NC, CONTEXT, EMBED), lambda i: (0, 0, 0)),
          pl.BlockSpec(memory_space=pltpu.MemorySpace.HBM),
          pl.BlockSpec((1, VT), lambda i: (0, i)),
      ],
      out_specs=[
          pl.BlockSpec((CONTEXT, VT), lambda i: (0, i)),
          pl.BlockSpec((CONTEXT, 1), lambda i: (0, 0)),
      ],
      out_shape=[
          jax.ShapeDtypeStruct((CONTEXT, VOCAB), jnp.float32),
          jax.ShapeDtypeStruct((CONTEXT, 1), jnp.float32),
      ],
      scratch_shapes=[
          pltpu.VMEM((CONTEXT, EMBED), jnp.float32),
          pltpu.VMEM((CONTEXT, 1), jnp.float32),
          pltpu.VMEM((CONTEXT, 1), jnp.float32),
          pltpu.VMEM((2, VT, EMBED), jnp.float32),
          pltpu.SemaphoreType.DMA,
          pltpu.SemaphoreType.DMA,
      ],
      compiler_params=pltpu.CompilerParams(
          dimension_semantics=("arbitrary",)),
  )(partials, lin_w, lin_b2)


def _pass_b(logits, stats):

  def body(l_ref, st_ref, o_ref):
    o_ref[...] = l_ref[...] - st_ref[...]

  return pl.pallas_call(
      body,
      grid=(GRID_T,),
      in_specs=[
          pl.BlockSpec((CONTEXT, VT), lambda i: (0, i)),
          pl.BlockSpec((CONTEXT, 1), lambda i: (0, 0)),
      ],
      out_specs=pl.BlockSpec((CONTEXT, VT), lambda i: (0, i)),
      out_shape=jax.ShapeDtypeStruct((CONTEXT, VOCAB), jnp.float32),
      input_output_aliases={0: 0},
  )(logits, stats)


def kernel(inputs, emb_table, lin_w, lin_b):
  idx = inputs.astype(jnp.int32)
  partials = _ctx_sums(idx, emb_table)
  logits, stats = _pass_a(partials, lin_w, lin_b.reshape(1, VOCAB))
  return _pass_b(logits, stats)

# --- scband reference (transcript-rebuilt; emitter-appended) ---
"""Pipeline reference for scband-cbow-56109452755213 (READ-ONLY COPY).

The authoritative reference and input builder live on the scoring server;
editing this copy changes nothing except your own understanding.
"""

import jax, jax.numpy as jnp
import numpy as np

VOCAB = 1000000
CONTEXT = 20
EMBED_DIM = 64
BATCH = 16384

def setup_inputs(seed: int = 0) -> dict:
    key = jax.random.key(seed)
    k1, k2, k3, k4 = jax.random.split(key, 4)
    inputs = jax.random.randint(k1, (BATCH, CONTEXT), 0, VOCAB, dtype=jnp.int64) if jax.config.jax_enable_x64 else jax.random.randint(k1, (BATCH, CONTEXT), 0, VOCAB, dtype=jnp.int32)
    emb_table = jax.random.normal(k2, (VOCAB, EMBED_DIM), dtype=jnp.float32) * 0.02
    # nn.Linear(embedding_dim, vocab_size): weight [vocab, d], bias [vocab]
    lin_w = jax.random.normal(k3, (VOCAB, EMBED_DIM), dtype=jnp.float32) * (1.0 / np.sqrt(EMBED_DIM))
    lin_b = jax.random.normal(k4, (VOCAB,), dtype=jnp.float32) * 0.01
    return {"inputs": inputs, "emb_table": emb_table, "lin_w": lin_w, "lin_b": lin_b}

def reference(inputs, emb_table, lin_w, lin_b):
    # embedding lookup: [B, L] -> [B, L, d]
    hidden = jnp.take(emb_table, inputs, axis=0)
    # mean over dim 0 (batch dim), then tanh: [L, d]
    hidden = jnp.tanh(hidden.mean(axis=0))
    # linear projection to vocab: [L, vocab]
    logits = hidden @ lin_w.T + lin_b
    log_probs = jax.nn.log_softmax(logits, axis=-1)
    return log_probs

if __name__ == "__main__":
    import jax
    _d = setup_inputs()
    print(jax.jit(kernel)(*tuple(_d.values())))

</pallas_src>

<mosaic_0001>
#map = affine_map<(d0, d1) -> (0, 0)>
#map1 = affine_map<(d0, d1) -> (0, 0, 0)>
module attributes {stable_mosaic.version = 14 : i64} {
  func.func @k(%arg0: i32, %arg1: i32, %arg2: memref<16384x20xi32, #tpu.memory_space<hbm>>, %arg3: memref<1000000x64xf32, #tpu.memory_space<hbm>>, %arg4: memref<2x20x64xf32, #tpu.memory_space<hbm>>, %arg5: memref<512x20xi32, #tpu.memory_space<vmem>>, %arg6: memref<10240xi32, #tpu.memory_space<vmem>>, %arg7: memref<80xi32, #tpu.memory_space<vmem>>, %arg8: memref<80x64xf32, #tpu.memory_space<vmem>>, %arg9: memref<80x64xf32, #tpu.memory_space<vmem>>, %arg10: memref<20x64xf32, #tpu.memory_space<vmem>>, %arg11: memref<20x64xf32, #tpu.memory_space<vmem_shared>>, %arg12: memref<!tpu.dma_semaphore, #tpu.memory_space<semaphore_mem>>, %arg13: memref<!tpu.dma_semaphore, #tpu.memory_space<semaphore_mem>>) attributes {dimension_semantics = [#tpu.dimension_semantics<core_parallel>, #tpu.dimension_semantics<subcore_parallel>], iteration_bounds = array<i64: 2, 16>, scalar_prefetch = 0 : i64, scratch_operands = 9 : i64, tpu.core_type = #tpu.core_type<sc_vector_subcore>, window_params = [{transform_indices = #map}, {transform_indices = #map}, {transform_indices = #map1}]} {
    %mul3A = arith.constant 2 : i32
    %mul3A_0 = arith.muli %arg1, %mul3A : i32
    %add3A = arith.addi %mul3A_0, %arg0 : i32
    %mul3A_1 = arith.constant 512 : i32
    %mul3A_2 = arith.muli %add3A, %mul3A_1 : i32
    "tpu.region"() ({
      %run_scoped3A = tpu.sem_alloc : memref<!tpu.dma_semaphore, #tpu.memory_space<semaphore_mem>>
      %dma_start3A_717 = arith.constant 0 : i32
      %dma_start3A_718 = tpu.memref_slice %arg2[%mul3A_2, %dma_start3A_717] : memref<16384x20xi32, #tpu.memory_space<hbm>> -> memref<512x20xi32, #tpu.memory_space<hbm>>
      %dma_start3A_719 = arith.constant 0 : i32
      %dma_start3A_720 = tpu.memref_slice %arg2[%mul3A_2, %dma_start3A_719] : memref<16384x20xi32, #tpu.memory_space<hbm>> -> memref<512x20xi32, #tpu.memory_space<hbm>>
      tpu.enqueue_dma source(%dma_start3A_720 : memref<512x20xi32, #tpu.memory_space<hbm>>) target(%arg5 : memref<512x20xi32, #tpu.memory_space<vmem>>) target_semaphore(%run_scoped3A : memref<!tpu.dma_semaphore, #tpu.memory_space<semaphore_mem>>)
      %dma_wait3A = arith.constant 0 : i32
      %dma_wait3A_721 = tpu.memref_slice %arg2[%mul3A_2, %dma_wait3A] : memref<16384x20xi32, #tpu.memory_space<hbm>> -> memref<512x20xi32, #tpu.memory_space<hbm>>
      %dma_wait3A_722 = arith.constant 0 : i32
      %dma_wait3A_723 = tpu.memref_slice %arg2[%mul3A_2, %dma_wait3A_722] : memref<16384x20xi32, #tpu.memory_space<hbm>> -> memref<512x20xi32, #tpu.memory_space<hbm>>
      tpu.wait_dma2 semaphore(%run_scoped3A : memref<!tpu.dma_semaphore, #tpu.memory_space<semaphore_mem>>) src(%dma_wait3A_723 : memref<512x20xi32, #tpu.memory_space<hbm>>) dst(%arg5 : memref<512x20xi32, #tpu.memory_space<vmem>>)
      tpu.yield
    }) : () -> ()
    %scan3A = arith.constant 0 : i32
    %scan3A_3 = arith.constant 0 : i32
    %scan3A_4 = arith.constant 512 : i32
    %scan3A_5 = arith.addi %scan3A_3, %scan3A_4 : i32
    %scan3A_6 = arith.constant 1 : i32
    scf.for %scan3A_717 = %scan3A_3 to %scan3A_5 step %scan3A_6  : i32 {
      %get3A = arith.index_cast %scan3A_717 : i32 to index
      %get3A_718 = arith.constant 0 : index
      %get3A_719 = tpu.vector_load %arg5[%get3A, %get3A_718] {strides = array<i32>} : memref<512x20xi32, #tpu.memory_space<vmem>>, vector<1x16xi32>,
      %get3A_720 = vector.shape_cast %get3A_719 : vector<1x16xi32> to vector<16xi32>
      %get3A_721 = arith.index_cast %scan3A_717 : i32 to index
      %get3A_722 = arith.constant 4 : index
      %get3A_723 = tpu.vector_load %arg5[%get3A_721, %get3A_722] {strides = array<i32>} : memref<512x20xi32, #tpu.memory_space<vmem>>, vector<1x16xi32>,
      %get3A_724 = vector.shape_cast %get3A_723 : vector<1x16xi32> to vector<16xi32>
      %mul3A_725 = arith.constant 20 : i32
      %mul3A_726 = arith.muli %scan3A_717, %mul3A_725 : i32
      %swap3A_727 = arith.index_cast %mul3A_726 : i32 to index
      %swap3A_728 = tpu.vector_load %arg6[%swap3A_727] {strides = array<i32>} : memref<10240xi32, #tpu.memory_space<vmem>>, vector<16xi32>,
      %swap3A_729 = vector.shape_cast %swap3A_728 : vector<16xi32> to vector<16xi32>
      %swap3A_730 = vector.shape_cast %get3A_720 : vector<16xi32> to vector<16xi32>
      tpu.vector_store %arg6[%swap3A_727], %swap3A_730 {strides = array<i32>} : memref<10240xi32, #tpu.memory_space<vmem>>, vector<16xi32>,
      %mul3A_731 = arith.constant 20 : i32
      %mul3A_732 = arith.muli %scan3A_717, %mul3A_731 : i32
      %add3A_733 = arith.constant 20 : i32
      %add3A_734 = arith.addi %mul3A_732, %add3A_733 : i32
      %sub3A = arith.constant 16 : i32
      %sub3A_735 = arith.subi %add3A_734, %sub3A : i32
      %swap3A_736 = arith.index_cast %sub3A_735 : i32 to index
      %swap3A_737 = tpu.vector_load %arg6[%swap3A_736] {strides = array<i32>} : memref<10240xi32, #tpu.memory_space<vmem>>, vector<16xi32>,
      %swap3A_738 = vector.shape_cast %swap3A_737 : vector<16xi32> to vector<16xi32>
      %swap3A_739 = vector.shape_cast %get3A_724 : vector<16xi32> to vector<16xi32>
      tpu.vector_store %arg6[%swap3A_736], %swap3A_739 {strides = array<i32>} : memref<10240xi32, #tpu.memory_space<vmem>>, vector<16xi32>,
    }
    %scan3A_7 = arith.constant 512 : i32
    %iota3A = tpu.iota {dimensions = array<i32: 0>} : vector<16xi32>
    %add3A_8 = arith.constant 0 : i32
    %add3A_9 = vector.broadcast %add3A_8 : i32 to vector<16xi32>
    %add3A_10 = arith.addi %iota3A, %add3A_9 : vector<16xi32>
    %rem3A = arith.constant 20 : i32
    %rem3A_11 = vector.broadcast %rem3A : i32 to vector<16xi32>
    %rem3A_12 = arith.remsi %add3A_10, %rem3A_11 : vector<16xi32>
    %swap3A = arith.constant 0 : index
    %swap3A_13 = tpu.vector_load %arg7[%swap3A] {strides = array<i32>} : memref<80xi32, #tpu.memory_space<vmem>>, vector<16xi32>,
    %swap3A_14 = vector.shape_cast %swap3A_13 : vector<16xi32> to vector<16xi32>
    %swap3A_15 = vector.shape_cast %rem3A_12 : vector<16xi32> to vector<16xi32>
    tpu.vector_store %arg7[%swap3A], %swap3A_15 {strides = array<i32>} : memref<80xi32, #tpu.memory_space<vmem>>, vector<16xi32>,
    %iota3A_16 = tpu.iota {dimensions = array<i32: 0>} : vector<16xi32>
    %add3A_17 = arith.constant 16 : i32
    %add3A_18 = vector.broadcast %add3A_17 : i32 to vector<16xi32>
    %add3A_19 = arith.addi %iota3A_16, %add3A_18 : vector<16xi32>
    %rem3A_20 = arith.constant 20 : i32
    %rem3A_21 = vector.broadcast %rem3A_20 : i32 to vector<16xi32>
    %rem3A_22 = arith.remsi %add3A_19, %rem3A_21 : vector<16xi32>
    %swap3A_23 = arith.constant 16 : index
    %swap3A_24 = tpu.vector_load %arg7[%swap3A_23] {strides = array<i32>} : memref<80xi32, #tpu.memory_space<vmem>>, vector<16xi32>,
    %swap3A_25 = vector.shape_cast %swap3A_24 : vector<16xi32> to vector<16xi32>
    %swap3A_26 = vector.shape_cast %rem3A_22 : vector<16xi32> to vector<16xi32>
    tpu.vector_store %arg7[%swap3A_23], %swap3A_26 {strides = array<i32>} : memref<80xi32, #tpu.memory_space<vmem>>, vector<16xi32>,
    %iota3A_27 = tpu.iota {dimensions = array<i32: 0>} : vector<16xi32>
    %add3A_28 = arith.constant 32 : i32
    %add3A_29 = vector.broadcast %add3A_28 : i32 to vector<16xi32>
    %add3A_30 = arith.addi %iota3A_27, %add3A_29 : vector<16xi32>
    %rem3A_31 = arith.constant 20 : i32
    %rem3A_32 = vector.broadcast %rem3A_31 : i32 to vector<16xi32>
    %rem3A_33 = arith.remsi %add3A_30, %rem3A_32 : vector<16xi32>
    %swap3A_34 = arith.constant 32 : index
    %swap3A_35 = tpu.vector_load %arg7[%swap3A_34] {strides = array<i32>} : memref<80xi32, #tpu.memory_space<vmem>>, vector<16xi32>,
    %swap3A_36 = vector.shape_cast %swap3A_35 : vector<16xi32> to vector<16xi32>
    %swap3A_37 = vector.shape_cast %rem3A_33 : vector<16xi32> to vector<16xi32>
    tpu.vector_store %arg7[%swap3A_34], %swap3A_37 {strides = array<i32>} : memref<80xi32, #tpu.memory_space<vmem>>, vector<16xi32>,
    %iota3A_38 = tpu.iota {dimensions = array<i32: 0>} : vector<16xi32>
    %add3A_39 = arith.constant 48 : i32
    %add3A_40 = vector.broadcast %add3A_39 : i32 to vector<16xi32>
    %add3A_41 = arith.addi %iota3A_38, %add3A_40 : vector<16xi32>
    %rem3A_42 = arith.constant 20 : i32
    %rem3A_43 = vector.broadcast %rem3A_42 : i32 to vector<16xi32>
    %rem3A_44 = arith.remsi %add3A_41, %rem3A_43 : vector<16xi32>
    %swap3A_45 = arith.constant 48 : index
    %swap3A_46 = tpu.vector_load %arg7[%swap3A_45] {strides = array<i32>} : memref<80xi32, #tpu.memory_space<vmem>>, vector<16xi32>,
    %swap3A_47 = vector.shape_cast %swap3A_46 : vector<16xi32> to vector<16xi32>
    %swap3A_48 = vector.shape_cast %rem3A_44 : vector<16xi32> to vector<16xi32>
    tpu.vector_store %arg7[%swap3A_45], %swap3A_48 {strides = array<i32>} : memref<80xi32, #tpu.memory_space<vmem>>, vector<16xi32>,
    %iota3A_49 = tpu.iota {dimensions = array<i32: 0>} : vector<16xi32>
    %add3A_50 = arith.constant 64 : i32
    %add3A_51 = vector.broadcast %add3A_50 : i32 to vector<16xi32>
    %add3A_52 = arith.addi %iota3A_49, %add3A_51 : vector<16xi32>
    %rem3A_53 = arith.constant 20 : i32
    %rem3A_54 = vector.broadcast %rem3A_53 : i32 to vector<16xi32>
    %rem3A_55 = arith.remsi %add3A_52, %rem3A_54 : vector<16xi32>
    %swap3A_56 = arith.constant 64 : index
    %swap3A_57 = tpu.vector_load %arg7[%swap3A_56] {strides = array<i32>} : memref<80xi32, #tpu.memory_space<vmem>>, vector<16xi32>,
    %swap3A_58 = vector.shape_cast %swap3A_57 : vector<16xi32> to vector<16xi32>
    %swap3A_59 = vector.shape_cast %rem3A_55 : vector<16xi32> to vector<16xi32>
    tpu.vector_store %arg7[%swap3A_56], %swap3A_59 {strides = array<i32>} : memref<80xi32, #tpu.memory_space<vmem>>, vector<16xi32>,
    %broadcast_in_dim3A = arith.constant 0.000000e+00 : f32
    %broadcast_in_dim3A_60 = vector.broadcast %broadcast_in_dim3A : f32 to vector<16xf32>
    %swap3A_61 = arith.constant 0 : i32
    %swap3A_62 = arith.index_cast %swap3A_61 : i32 to index
    %swap3A_63 = arith.constant 0 : index
    %swap3A_64 = tpu.vector_load %arg10[%swap3A_62, %swap3A_63] {strides = array<i32>} : memref<20x64xf32, #tpu.memory_space<vmem>>, vector<1x16xf32>,
    %swap3A_65 = vector.shape_cast %swap3A_64 : vector<1x16xf32> to vector<16xf32>
    %swap3A_66 = vector.shape_cast %broadcast_in_dim3A_60 : vector<16xf32> to vector<1x16xf32>
    tpu.vector_store %arg10[%swap3A_62, %swap3A_63], %swap3A_66 {strides = array<i32>} : memref<20x64xf32, #tpu.memory_space<vmem>>, vector<1x16xf32>,
    %broadcast_in_dim3A_67 = arith.constant 0.000000e+00 : f32
    %broadcast_in_dim3A_68 = vector.broadcast %broadcast_in_dim3A_67 : f32 to vector<16xf32>
    %swap3A_69 = arith.constant 0 : i32
    %swap3A_70 = arith.index_cast %swap3A_69 : i32 to index
    %swap3A_71 = arith.constant 16 : index
    %swap3A_72 = tpu.vector_load %arg10[%swap3A_70, %swap3A_71] {strides = array<i32>} : memref<20x64xf32, #tpu.memory_space<vmem>>, vector<1x16xf32>,
    %swap3A_73 = vector.shape_cast %swap3A_72 : vector<1x16xf32> to vector<16xf32>
    %swap3A_74 = vector.shape_cast %broadcast_in_dim3A_68 : vector<16xf32> to vector<1x16xf32>
    tpu.vector_store %arg10[%swap3A_70, %swap3A_71], %swap3A_74 {strides = array<i32>} : memref<20x64xf32, #tpu.memory_space<vmem>>, vector<1x16xf32>,
    %broadcast_in_dim3A_75 = arith.constant 0.000000e+00 : f32
    %broadcast_in_dim3A_76 = vector.broadcast %broadcast_in_dim3A_75 : f32 to vector<16xf32>
    %swap3A_77 = arith.constant 0 : i32
    %swap3A_78 = arith.index_cast %swap3A_77 : i32 to index
    %swap3A_79 = arith.constant 32 : index
    %swap3A_80 = tpu.vector_load %arg10[%swap3A_78, %swap3A_79] {strides = array<i32>} : memref<20x64xf32, #tpu.memory_space<vmem>>, vector<1x16xf32>,
    %swap3A_81 = vector.shape_cast %swap3A_80 : vector<1x16xf32> to vector<16xf32>
    %swap3A_82 = vector.shape_cast %broadcast_in_dim3A_76 : vector<16xf32> to vector<1x16xf32>
    tpu.vector_store %arg10[%swap3A_78, %swap3A_79], %swap3A_82 {strides = array<i32>} : memref<20x64xf32, #tpu.memory_space<vmem>>, vector<1x16xf32>,
    %broadcast_in_dim3A_83 = arith.constant 0.000000e+00 : f32
    %broadcast_in_dim3A_84 = vector.broadcast %broadcast_in_dim3A_83 : f32 to vector<16xf32>
    %swap3A_85 = arith.constant 0 : i32
    %swap3A_86 = arith.index_cast %swap3A_85 : i32 to index
    %swap3A_87 = arith.constant 48 : index
    %swap3A_88 = tpu.vector_load %arg10[%swap3A_86, %swap3A_87] {strides = array<i32>} : memref<20x64xf32, #tpu.memory_space<vmem>>, vector<1x16xf32>,
    %swap3A_89 = vector.shape_cast %swap3A_88 : vector<1x16xf32> to vector<16xf32>
    %swap3A_90 = vector.shape_cast %broadcast_in_dim3A_84 : vector<16xf32> to vector<1x16xf32>
    tpu.vector_store %arg10[%swap3A_86, %swap3A_87], %swap3A_90 {strides = array<i32>} : memref<20x64xf32, #tpu.memory_space<vmem>>, vector<1x16xf32>,
    %broadcast_in_dim3A_91 = arith.constant 0.000000e+00 : f32
    %broadcast_in_dim3A_92 = vector.broadcast %broadcast_in_dim3A_91 : f32 to vector<16xf32>
    %swap3A_93 = arith.constant 1 : i32
    %swap3A_94 = arith.index_cast %swap3A_93 : i32 to index
    %swap3A_95 = arith.constant 0 : index
    %swap3A_96 = tpu.vector_load %arg10[%swap3A_94, %swap3A_95] {strides = array<i32>} : memref<20x64xf32, #tpu.memory_space<vmem>>, vector<1x16xf32>,
    %swap3A_97 = vector.shape_cast %swap3A_96 : vector<1x16xf32> to vector<16xf32>
    %swap3A_98 = vector.shape_cast %broadcast_in_dim3A_92 : vector<16xf32> to vector<1x16xf32>
    tpu.vector_store %arg10[%swap3A_94, %swap3A_95], %swap3A_98 {strides = array<i32>} : memref<20x64xf32, #tpu.memory_space<vmem>>, vector<1x16xf32>,
    %broadcast_in_dim3A_99 = arith.constant 0.000000e+00 : f32
    %broadcast_in_dim3A_100 = vector.broadcast %broadcast_in_dim3A_99 : f32 to vector<16xf32>
    %swap3A_101 = arith.constant 1 : i32
    %swap3A_102 = arith.index_cast %swap3A_101 : i32 to index
    %swap3A_103 = arith.constant 16 : index
    %swap3A_104 = tpu.vector_load %arg10[%swap3A_102, %swap3A_103] {strides = array<i32>} : memref<20x64xf32, #tpu.memory_space<vmem>>, vector<1x16xf32>,
    %swap3A_105 = vector.shape_cast %swap3A_104 : vector<1x16xf32> to vector<16xf32>
    %swap3A_106 = vector.shape_cast %broadcast_in_dim3A_100 : vector<16xf32> to vector<1x16xf32>
    tpu.vector_store %arg10[%swap3A_102, %swap3A_103], %swap3A_106 {strides = array<i32>} : memref<20x64xf32, #tpu.memory_space<vmem>>, vector<1x16xf32>,
    %broadcast_in_dim3A_107 = arith.constant 0.000000e+00 : f32
    %broadcast_in_dim3A_108 = vector.broadcast %broadcast_in_dim3A_107 : f32 to vector<16xf32>
    %swap3A_109 = arith.constant 1 : i32
    %swap3A_110 = arith.index_cast %swap3A_109 : i32 to index
    %swap3A_111 = arith.constant 32 : index
    %swap3A_112 = tpu.vector_load %arg10[%swap3A_110, %swap3A_111] {strides = array<i32>} : memref<20x64xf32, #tpu.memory_space<vmem>>, vector<1x16xf32>,
    %swap3A_113 = vector.shape_cast %swap3A_112 : vector<1x16xf32> to vector<16xf32>
    %swap3A_114 = vector.shape_cast %broadcast_in_dim3A_108 : vector<16xf32> to vector<1x16xf32>
    tpu.vector_store %arg10[%swap3A_110, %swap3A_111], %swap3A_114 {strides = array<i32>} : memref<20x64xf32, #tpu.memory_space<vmem>>, vector<1x16xf32>,
    %broadcast_in_dim3A_115 = arith.constant 0.000000e+00 : f32
    %broadcast_in_dim3A_116 = vector.broadcast %broadcast_in_dim3A_115 : f32 to vector<16xf32>
    %swap3A_117 = arith.constant 1 : i32
    %swap3A_118 = arith.index_cast %swap3A_117 : i32 to index
    %swap3A_119 = arith.constant 48 : index
    %swap3A_120 = tpu.vector_load %arg10[%swap3A_118, %swap3A_119] {strides = array<i32>} : memref<20x64xf32, #tpu.memory_space<vmem>>, vector<1x16xf32>,
    %swap3A_121 = vector.shape_cast %swap3A_120 : vector<1x16xf32> to vector<16xf32>
    %swap3A_122 = vector.shape_cast %broadcast_in_dim3A_116 : vector<16xf32> to vector<1x16xf32>
    tpu.vector_store %arg10[%swap3A_118, %swap3A_119], %swap3A_122 {strides = array<i32>} : memref<20x64xf32, #tpu.memory_space<vmem>>, vector<1x16xf32>,
    %broadcast_in_dim3A_123 = arith.constant 0.000000e+00 : f32
    %broadcast_in_dim3A_124 = vector.broadcast %broadcast_in_dim3A_123 : f32 to vector<16xf32>
    %swap3A_125 = arith.constant 2 : i32
    %swap3A_126 = arith.index_cast %swap3A_125 : i32 to index
    %swap3A_127 = arith.constant 0 : index
    %swap3A_128 = tpu.vector_load %arg10[%swap3A_126, %swap3A_127] {strides = array<i32>} : memref<20x64xf32, #tpu.memory_space<vmem>>, vector<1x16xf32>,
    %swap3A_129 = vector.shape_cast %swap3A_128 : vector<1x16xf32> to vector<16xf32>
    %swap3A_130 = vector.shape_cast %broadcast_in_dim3A_124 : vector<16xf32> to vector<1x16xf32>
    tpu.vector_store %arg10[%swap3A_126, %swap3A_127], %swap3A_130 {strides = array<i32>} : memref<20x64xf32, #tpu.memory_space<vmem>>, vector<1x16xf32>,
    %broadcast_in_dim3A_131 = arith.constant 0.000000e+00 : f32
    %broadcast_in_dim3A_132 = vector.broadcast %broadcast_in_dim3A_131 : f32 to vector<16xf32>
    %swap3A_133 = arith.constant 2 : i32
    %swap3A_134 = arith.index_cast %swap3A_133 : i32 to index
    %swap3A_135 = arith.constant 16 : index
    %swap3A_136 = tpu.vector_load %arg10[%swap3A_134, %swap3A_135] {strides = array<i32>} : memref<20x64xf32, #tpu.memory_space<vmem>>, vector<1x16xf32>,
    %swap3A_137 = vector.shape_cast %swap3A_136 : vector<1x16xf32> to vector<16xf32>
    %swap3A_138 = vector.shape_cast %broadcast_in_dim3A_132 : vector<16xf32> to vector<1x16xf32>
    tpu.vector_store %arg10[%swap3A_134, %swap3A_135], %swap3A_138 {strides = array<i32>} : memref<20x64xf32, #tpu.memory_space<vmem>>, vector<1x16xf32>,
    %broadcast_in_dim3A_139 = arith.constant 0.000000e+00 : f32
    %broadcast_in_dim3A_140 = vector.broadcast %broadcast_in_dim3A_139 : f32 to vector<16xf32>
    %swap3A_141 = arith.constant 2 : i32
    %swap3A_142 = arith.index_cast %swap3A_141 : i32 to index
    %swap3A_143 = arith.constant 32 : index
    %swap3A_144 = tpu.vector_load %arg10[%swap3A_142, %swap3A_143] {strides = array<i32>} : memref<20x64xf32, #tpu.memory_space<vmem>>, vector<1x16xf32>,
    %swap3A_145 = vector.shape_cast %swap3A_144 : vector<1x16xf32> to vector<16xf32>
    %swap3A_146 = vector.shape_cast %broadcast_in_dim3A_140 : vector<16xf32> to vector<1x16xf32>
    tpu.vector_store %arg10[%swap3A_142, %swap3A_143], %swap3A_146 {strides = array<i32>} : memref<20x64xf32, #tpu.memory_space<vmem>>, vector<1x16xf32>,
    %broadcast_in_dim3A_147 = arith.constant 0.000000e+00 : f32
    %broadcast_in_dim3A_148 = vector.broadcast %broadcast_in_dim3A_147 : f32 to vector<16xf32>
    %swap3A_149 = arith.constant 2 : i32
    %swap3A_150 = arith.index_cast %swap3A_149 : i32 to index
    %swap3A_151 = arith.constant 48 : index
    %swap3A_152 = tpu.vector_load %arg10[%swap3A_150, %swap3A_151] {strides = array<i32>} : memref<20x64xf32, #tpu.memory_space<vmem>>, vector<1x16xf32>,
    %swap3A_153 = vector.shape_cast %swap3A_152 : vector<1x16xf32> to vector<16xf32>
    %swap3A_154 = vector.shape_cast %broadcast_in_dim3A_148 : vector<16xf32> to vector<1x16xf32>
    tpu.vector_store %arg10[%swap3A_150, %swap3A_151], %swap3A_154 {strides = array<i32>} : memref<20x64xf32, #tpu.memory_space<vmem>>, vector<1x16xf32>,
    %broadcast_in_dim3A_155 = arith.constant 0.000000e+00 : f32
    %broadcast_in_dim3A_156 = vector.broadcast %broadcast_in_dim3A_155 : f32 to vector<16xf32>
    %swap3A_157 = arith.constant 3 : i32
    %swap3A_158 = arith.index_cast %swap3A_157 : i32 to index
    %swap3A_159 = arith.constant 0 : index
    %swap3A_160 = tpu.vector_load %arg10[%swap3A_158, %swap3A_159] {strides = array<i32>} : memref<20x64xf32, #tpu.memory_space<vmem>>, vector<1x16xf32>,
    %swap3A_161 = vector.shape_cast %swap3A_160 : vector<1x16xf32> to vector<16xf32>
    %swap3A_162 = vector.shape_cast %broadcast_in_dim3A_156 : vector<16xf32> to vector<1x16xf32>
    tpu.vector_store %arg10[%swap3A_158, %swap3A_159], %swap3A_162 {strides = array<i32>} : memref<20x64xf32, #tpu.memory_space<vmem>>, vector<1x16xf32>,
    %broadcast_in_dim3A_163 = arith.constant 0.000000e+00 : f32
    %broadcast_in_dim3A_164 = vector.broadcast %broadcast_in_dim3A_163 : f32 to vector<16xf32>
    %swap3A_165 = arith.constant 3 : i32
    %swap3A_166 = arith.index_cast %swap3A_165 : i32 to index
    %swap3A_167 = arith.constant 16 : index
    %swap3A_168 = tpu.vector_load %arg10[%swap3A_166, %swap3A_167] {strides = array<i32>} : memref<20x64xf32, #tpu.memory_space<vmem>>, vector<1x16xf32>,
    %swap3A_169 = vector.shape_cast %swap3A_168 : vector<1x16xf32> to vector<16xf32>
    %swap3A_170 = vector.shape_cast %broadcast_in_dim3A_164 : vector<16xf32> to vector<1x16xf32>
    tpu.vector_store %arg10[%swap3A_166, %swap3A_167], %swap3A_170 {strides = array<i32>} : memref<20x64xf32, #tpu.memory_space<vmem>>, vector<1x16xf32>,
    %broadcast_in_dim3A_171 = arith.constant 0.000000e+00 : f32
    %broadcast_in_dim3A_172 = vector.broadcast %broadcast_in_dim3A_171 : f32 to vector<16xf32>
    %swap3A_173 = arith.constant 3 : i32
    %swap3A_174 = arith.index_cast %swap3A_173 : i32 to index
    %swap3A_175 = arith.constant 32 : index
    %swap3A_176 = tpu.vector_load %arg10[%swap3A_174, %swap3A_175] {strides = array<i32>} : memref<20x64xf32, #tpu.memory_space<vmem>>, vector<1x16xf32>,
    %swap3A_177 = vector.shape_cast %swap3A_176 : vector<1x16xf32> to vector<16xf32>
    %swap3A_178 = vector.shape_cast %broadcast_in_dim3A_172 : vector<16xf32> to vector<1x16xf32>
    tpu.vector_store %arg10[%swap3A_174, %swap3A_175], %swap3A_178 {strides = array<i32>} : memref<20x64xf32, #tpu.memory_space<vmem>>, vector<1x16xf32>,
    %broadcast_in_dim3A_179 = arith.constant 0.000000e+00 : f32
    %broadcast_in_dim3A_180 = vector.broadcast %broadcast_in_dim3A_179 : f32 to vector<16xf32>
    %swap3A_181 = arith.constant 3 : i32
    %swap3A_182 = arith.index_cast %swap3A_181 : i32 to index
    %swap3A_183 = arith.constant 48 : index
    %swap3A_184 = tpu.vector_load %arg10[%swap3A_182, %swap3A_183] {strides = array<i32>} : memref<20x64xf32, #tpu.memory_space<vmem>>, vector<1x16xf32>,
    %swap3A_185 = vector.shape_cast %swap3A_184 : vector<1x16xf32> to vector<16xf32>
    %swap3A_186 = vector.shape_cast %broadcast_in_dim3A_180 : vector<16xf32> to vector<1x16xf32>
    tpu.vector_store %arg10[%swap3A_182, %swap3A_183], %swap3A_186 {strides = array<i32>} : memref<20x64xf32, #tpu.memory_space<vmem>>, vector<1x16xf32>,
    %broadcast_in_dim3A_187 = arith.constant 0.000000e+00 : f32
    %broadcast_in_dim3A_188 = vector.broadcast %broadcast_in_dim3A_187 : f32 to vector<16xf32>
    %swap3A_189 = arith.constant 4 : i32
    %swap3A_190 = arith.index_cast %swap3A_189 : i32 to index
    %swap3A_191 = arith.constant 0 : index
    %swap3A_192 = tpu.vector_load %arg10[%swap3A_190, %swap3A_191] {strides = array<i32>} : memref<20x64xf32, #tpu.memory_space<vmem>>, vector<1x16xf32>,
    %swap3A_193 = vector.shape_cast %swap3A_192 : vector<1x16xf32> to vector<16xf32>
    %swap3A_194 = vector.shape_cast %broadcast_in_dim3A_188 : vector<16xf32> to vector<1x16xf32>
    tpu.vector_store %arg10[%swap3A_190, %swap3A_191], %swap3A_194 {strides = array<i32>} : memref<20x64xf32, #tpu.memory_space<vmem>>, vector<1x16xf32>,
    %broadcast_in_dim3A_195 = arith.constant 0.000000e+00 : f32
    %broadcast_in_dim3A_196 = vector.broadcast %broadcast_in_dim3A_195 : f32 to vector<16xf32>
    %swap3A_197 = arith.constant 4 : i32
    %swap3A_198 = arith.index_cast %swap3A_197 : i32 to index
    %swap3A_199 = arith.constant 16 : index
    %swap3A_200 = tpu.vector_load %arg10[%swap3A_198, %swap3A_199] {strides = array<i32>} : memref<20x64xf32, #tpu.memory_space<vmem>>, vector<1x16xf32>,
    %swap3A_201 = vector.shape_cast %swap3A_200 : vector<1x16xf32> to vector<16xf32>
    %swap3A_202 = vector.shape_cast %broadcast_in_dim3A_196 : vector<16xf32> to vector<1x16xf32>
    tpu.vector_store %arg10[%swap3A_198, %swap3A_199], %swap3A_202 {strides = array<i32>} : memref<20x64xf32, #tpu.memory_space<vmem>>, vector<1x16xf32>,
    %broadcast_in_dim3A_203 = arith.constant 0.000000e+00 : f32
    %broadcast_in_dim3A_204 = vector.broadcast %broadcast_in_dim3A_203 : f32 to vector<16xf32>
    %swap3A_205 = arith.constant 4 : i32
    %swap3A_206 = arith.index_cast %swap3A_205 : i32 to index
    %swap3A_207 = arith.constant 32 : index
    %swap3A_208 = tpu.vector_load %arg10[%swap3A_206, %swap3A_207] {strides = array<i32>} : memref<20x64xf32, #tpu.memory_space<vmem>>, vector<1x16xf32>,
    %swap3A_209 = vector.shape_cast %swap3A_208 : vector<1x16xf32> to vector<16xf32>
    %swap3A_210 = vector.shape_cast %broadcast_in_dim3A_204 : vector<16xf32> to vector<1x16xf32>
    tpu.vector_store %arg10[%swap3A_206, %swap3A_207], %swap3A_210 {strides = array<i32>} : memref<20x64xf32, #tpu.memory_space<vmem>>, vector<1x16xf32>,
    %broadcast_in_dim3A_211 = arith.constant 0.000000e+00 : f32
    %broadcast_in_dim3A_212 = vector.broadcast %broadcast_in_dim3A_211 : f32 to vector<16xf32>
    %swap3A_213 = arith.constant 4 : i32
    %swap3A_214 = arith.index_cast %swap3A_213 : i32 to index
    %swap3A_215 = arith.constant 48 : index
    %swap3A_216 = tpu.vector_load %arg10[%swap3A_214, %swap3A_215] {strides = array<i32>} : memref<20x64xf32, #tpu.memory_space<vmem>>, vector<1x16xf32>,
    %swap3A_217 = vector.shape_cast %swap3A_216 : vector<1x16xf32> to vector<16xf32>
    %swap3A_218 = vector.shape_cast %broadcast_in_dim3A_212 : vector<16xf32> to vector<1x16xf32>
    tpu.vector_store %arg10[%swap3A_214, %swap3A_215], %swap3A_218 {strides = array<i32>} : memref<20x64xf32, #tpu.memory_space<vmem>>, vector<1x16xf32>,
    %broadcast_in_dim3A_219 = arith.constant 0.000000e+00 : f32
    %broadcast_in_dim3A_220 = vector.broadcast %broadcast_in_dim3A_219 : f32 to vector<16xf32>
    %swap3A_221 = arith.constant 5 : i32
    %swap3A_222 = arith.index_cast %swap3A_221 : i32 to index
    %swap3A_223 = arith.constant 0 : index
    %swap3A_224 = tpu.vector_load %arg10[%swap3A_222, %swap3A_223] {strides = array<i32>} : memref<20x64xf32, #tpu.memory_space<vmem>>, vector<1x16xf32>,
    %swap3A_225 = vector.shape_cast %swap3A_224 : vector<1x16xf32> to vector<16xf32>
    %swap3A_226 = vector.shape_cast %broadcast_in_dim3A_220 : vector<16xf32> to vector<1x16xf32>
    tpu.vector_store %arg10[%swap3A_222, %swap3A_223], %swap3A_226 {strides = array<i32>} : memref<20x64xf32, #tpu.memory_space<vmem>>, vector<1x16xf32>,
    %broadcast_in_dim3A_227 = arith.constant 0.000000e+00 : f32
    %broadcast_in_dim3A_228 = vector.broadcast %broadcast_in_dim3A_227 : f32 to vector<16xf32>
    %swap3A_229 = arith.constant 5 : i32
    %swap3A_230 = arith.index_cast %swap3A_229 : i32 to index
    %swap3A_231 = arith.constant 16 : index
    %swap3A_232 = tpu.vector_load %arg10[%swap3A_230, %swap3A_231] {strides = array<i32>} : memref<20x64xf32, #tpu.memory_space<vmem>>, vector<1x16xf32>,
    %swap3A_233 = vector.shape_cast %swap3A_232 : vector<1x16xf32> to vector<16xf32>
    %swap3A_234 = vector.shape_cast %broadcast_in_dim3A_228 : vector<16xf32> to vector<1x16xf32>
    tpu.vector_store %arg10[%swap3A_230, %swap3A_231], %swap3A_234 {strides = array<i32>} : memref<20x64xf32, #tpu.memory_space<vmem>>, vector<1x16xf32>,
    %broadcast_in_dim3A_235 = arith.constant 0.000000e+00 : f32
    %broadcast_in_dim3A_236 = vector.broadcast %broadcast_in_dim3A_235 : f32 to vector<16xf32>
    %swap3A_237 = arith.constant 5 : i32
    %swap3A_238 = arith.index_cast %swap3A_237 : i32 to index
    %swap3A_239 = arith.constant 32 : index
    %swap3A_240 = tpu.vector_load %arg10[%swap3A_238, %swap3A_239] {strides = array<i32>} : memref<20x64xf32, #tpu.memory_space<vmem>>, vector<1x16xf32>,
    %swap3A_241 = vector.shape_cast %swap3A_240 : vector<1x16xf32> to vector<16xf32>
    %swap3A_242 = vector.shape_cast %broadcast_in_dim3A_236 : vector<16xf32> to vector<1x16xf32>
    tpu.vector_store %arg10[%swap3A_238, %swap3A_239], %swap3A_242 {strides = array<i32>} : memref<20x64xf32, #tpu.memory_space<vmem>>, vector<1x16xf32>,
    %broadcast_in_dim3A_243 = arith.constant 0.000000e+00 : f32
    %broadcast_in_dim3A_244 = vector.broadcast %broadcast_in_dim3A_243 : f32 to vector<16xf32>
    %swap3A_245 = arith.constant 5 : i32
    %swap3A_246 = arith.index_cast %swap3A_245 : i32 to index
    %swap3A_247 = arith.constant 48 : index
    %swap3A_248 = tpu.vector_load %arg10[%swap3A_246, %swap3A_247] {strides = array<i32>} : memref<20x64xf32, #tpu.memory_space<vmem>>, vector<1x16xf32>,
    %swap3A_249 = vector.shape_cast %swap3A_248 : vector<1x16xf32> to vector<16xf32>
    %swap3A_250 = vector.shape_cast %broadcast_in_dim3A_244 : vector<16xf32> to vector<1x16xf32>
    tpu.vector_store %arg10[%swap3A_246, %swap3A_247], %swap3A_250 {strides = array<i32>} : memref<20x64xf32, #tpu.memory_space<vmem>>, vector<1x16xf32>,
    %broadcast_in_dim3A_251 = arith.constant 0.000000e+00 : f32
    %broadcast_in_dim3A_252 = vector.broadcast %broadcast_in_dim3A_251 : f32 to vector<16xf32>
    %swap3A_253 = arith.constant 6 : i32
    %swap3A_254 = arith.index_cast %swap3A_253 : i32 to index
    %swap3A_255 = arith.constant 0 : index
    %swap3A_256 = tpu.vector_load %arg10[%swap3A_254, %swap3A_255] {strides = array<i32>} : memref<20x64xf32, #tpu.memory_space<vmem>>, vector<1x16xf32>,
    %swap3A_257 = vector.shape_cast %swap3A_256 : vector<1x16xf32> to vector<16xf32>
    %swap3A_258 = vector.shape_cast %broadcast_in_dim3A_252 : vector<16xf32> to vector<1x16xf32>
    tpu.vector_store %arg10[%swap3A_254, %swap3A_255], %swap3A_258 {strides = array<i32>} : memref<20x64xf32, #tpu.memory_space<vmem>>, vector<1x16xf32>,
    %broadcast_in_dim3A_259 = arith.constant 0.000000e+00 : f32
    %broadcast_in_dim3A_260 = vector.broadcast %broadcast_in_dim3A_259 : f32 to vector<16xf32>
    %swap3A_261 = arith.constant 6 : i32
    %swap3A_262 = arith.index_cast %swap3A_261 : i32 to index
    %swap3A_263 = arith.constant 16 : index
    %swap3A_264 = tpu.vector_load %arg10[%swap3A_262, %swap3A_263] {strides = array<i32>} : memref<20x64xf32, #tpu.memory_space<vmem>>, vector<1x16xf32>,
    %swap3A_265 = vector.shape_cast %swap3A_264 : vector<1x16xf32> to vector<16xf32>
    %swap3A_266 = vector.shape_cast %broadcast_in_dim3A_260 : vector<16xf32> to vector<1x16xf32>
    tpu.vector_store %arg10[%swap3A_262, %swap3A_263], %swap3A_266 {strides = array<i32>} : memref<20x64xf32, #tpu.memory_space<vmem>>, vector<1x16xf32>,
    %broadcast_in_dim3A_267 = arith.constant 0.000000e+00 : f32
    %broadcast_in_dim3A_268 = vector.broadcast %broadcast_in_dim3A_267 : f32 to vector<16xf32>
    %swap3A_269 = arith.constant 6 : i32
    %swap3A_270 = arith.index_cast %swap3A_269 : i32 to index
    %swap3A_271 = arith.constant 32 : index
    %swap3A_272 = tpu.vector_load %arg10[%swap3A_270, %swap3A_271] {strides = array<i32>} : memref<20x64xf32, #tpu.memory_space<vmem>>, vector<1x16xf32>,
    %swap3A_273 = vector.shape_cast %swap3A_272 : vector<1x16xf32> to vector<16xf32>
    %swap3A_274 = vector.shape_cast %broadcast_in_dim3A_268 : vector<16xf32> to vector<1x16xf32>
    tpu.vector_store %arg10[%swap3A_270, %swap3A_271], %swap3A_274 {strides = array<i32>} : memref<20x64xf32, #tpu.memory_space<vmem>>, vector<1x16xf32>,
    %broadcast_in_dim3A_275 = arith.constant 0.000000e+00 : f32
    %broadcast_in_dim3A_276 = vector.broadcast %broadcast_in_dim3A_275 : f32 to vector<16xf32>
    %swap3A_277 = arith.constant 6 : i32
    %swap3A_278 = arith.index_cast %swap3A_277 : i32 to index
    %swap3A_279 = arith.constant 48 : index
    %swap3A_280 = tpu.vector_load %arg10[%swap3A_278, %swap3A_279] {strides = array<i32>} : memref<20x64xf32, #tpu.memory_space<vmem>>, vector<1x16xf32>,
    %swap3A_281 = vector.shape_cast %swap3A_280 : vector<1x16xf32> to vector<16xf32>
    %swap3A_282 = vector.shape_cast %broadcast_in_dim3A_276 : vector<16xf32> to vector<1x16xf32>
    tpu.vector_store %arg10[%swap3A_278, %swap3A_279], %swap3A_282 {strides = array<i32>} : memref<20x64xf32, #tpu.memory_space<vmem>>, vector<1x16xf32>,
    %broadcast_in_dim3A_283 = arith.constant 0.000000e+00 : f32
    %broadcast_in_dim3A_284 = vector.broadcast %broadcast_in_dim3A_283 : f32 to vector<16xf32>
    %swap3A_285 = arith.constant 7 : i32
    %swap3A_286 = arith.index_cast %swap3A_285 : i32 to index
    %swap3A_287 = arith.constant 0 : index
    %swap3A_288 = tpu.vector_load %arg10[%swap3A_286, %swap3A_287] {strides = array<i32>} : memref<20x64xf32, #tpu.memory_space<vmem>>, vector<1x16xf32>,
    %swap3A_289 = vector.shape_cast %swap3A_288 : vector<1x16xf32> to vector<16xf32>
    %swap3A_290 = vector.shape_cast %broadcast_in_dim3A_284 : vector<16xf32> to vector<1x16xf32>
    tpu.vector_store %arg10[%swap3A_286, %swap3A_287], %swap3A_290 {strides = array<i32>} : memref<20x64xf32, #tpu.memory_space<vmem>>, vector<1x16xf32>,
    %broadcast_in_dim3A_291 = arith.constant 0.000000e+00 : f32
    %broadcast_in_dim3A_292 = vector.broadcast %broadcast_in_dim3A_291 : f32 to vector<16xf32>
    %swap3A_293 = arith.constant 7 : i32
    %swap3A_294 = arith.index_cast %swap3A_293 : i32 to index
    %swap3A_295 = arith.constant 16 : index
    %swap3A_296 = tpu.vector_load %arg10[%swap3A_294, %swap3A_295] {strides = array<i32>} : memref<20x64xf32, #tpu.memory_space<vmem>>, vector<1x16xf32>,
    %swap3A_297 = vector.shape_cast %swap3A_296 : vector<1x16xf32> to vector<16xf32>
    %swap3A_298 = vector.shape_cast %broadcast_in_dim3A_292 : vector<16xf32> to vector<1x16xf32>
    tpu.vector_store %arg10[%swap3A_294, %swap3A_295], %swap3A_298 {strides = array<i32>} : memref<20x64xf32, #tpu.memory_space<vmem>>, vector<1x16xf32>,
    %broadcast_in_dim3A_299 = arith.constant 0.000000e+00 : f32
    %broadcast_in_dim3A_300 = vector.broadcast %broadcast_in_dim3A_299 : f32 to vector<16xf32>
    %swap3A_301 = arith.constant 7 : i32
    %swap3A_302 = arith.index_cast %swap3A_301 : i32 to index
    %swap3A_303 = arith.constant 32 : index
    %swap3A_304 = tpu.vector_load %arg10[%swap3A_302, %swap3A_303] {strides = array<i32>} : memref<20x64xf32, #tpu.memory_space<vmem>>, vector<1x16xf32>,
    %swap3A_305 = vector.shape_cast %swap3A_304 : vector<1x16xf32> to vector<16xf32>
    %swap3A_306 = vector.shape_cast %broadcast_in_dim3A_300 : vector<16xf32> to vector<1x16xf32>
    tpu.vector_store %arg10[%swap3A_302, %swap3A_303], %swap3A_306 {strides = array<i32>} : memref<20x64xf32, #tpu.memory_space<vmem>>, vector<1x16xf32>,
    %broadcast_in_dim3A_307 = arith.constant 0.000000e+00 : f32
    %broadcast_in_dim3A_308 = vector.broadcast %broadcast_in_dim3A_307 : f32 to vector<16xf32>
    %swap3A_309 = arith.constant 7 : i32
    %swap3A_310 = arith.index_cast %swap3A_309 : i32 to index
    %swap3A_311 = arith.constant 48 : index
    %swap3A_312 = tpu.vector_load %arg10[%swap3A_310, %swap3A_311] {strides = array<i32>} : memref<20x64xf32, #tpu.memory_space<vmem>>, vector<1x16xf32>,
    %swap3A_313 = vector.shape_cast %swap3A_312 : vector<1x16xf32> to vector<16xf32>
    %swap3A_314 = vector.shape_cast %broadcast_in_dim3A_308 : vector<16xf32> to vector<1x16xf32>
    tpu.vector_store %arg10[%swap3A_310, %swap3A_311], %swap3A_314 {strides = array<i32>} : memref<20x64xf32, #tpu.memory_space<vmem>>, vector<1x16xf32>,
    %broadcast_in_dim3A_315 = arith.constant 0.000000e+00 : f32
    %broadcast_in_dim3A_316 = vector.broadcast %broadcast_in_dim3A_315 : f32 to vector<16xf32>
    %swap3A_317 = arith.constant 8 : i32
    %swap3A_318 = arith.index_cast %swap3A_317 : i32 to index
    %swap3A_319 = arith.constant 0 : index
    %swap3A_320 = tpu.vector_load %arg10[%swap3A_318, %swap3A_319] {strides = array<i32>} : memref<20x64xf32, #tpu.memory_space<vmem>>, vector<1x16xf32>,
    %swap3A_321 = vector.shape_cast %swap3A_320 : vector<1x16xf32> to vector<16xf32>
    %swap3A_322 = vector.shape_cast %broadcast_in_dim3A_316 : vector<16xf32> to vector<1x16xf32>
    tpu.vector_store %arg10[%swap3A_318, %swap3A_319], %swap3A_322 {strides = array<i32>} : memref<20x64xf32, #tpu.memory_space<vmem>>, vector<1x16xf32>,
    %broadcast_in_dim3A_323 = arith.constant 0.000000e+00 : f32
    %broadcast_in_dim3A_324 = vector.broadcast %broadcast_in_dim3A_323 : f32 to vector<16xf32>
    %swap3A_325 = arith.constant 8 : i32
    %swap3A_326 = arith.index_cast %swap3A_325 : i32 to index
    %swap3A_327 = arith.constant 16 : index
    %swap3A_328 = tpu.vector_load %arg10[%swap3A_326, %swap3A_327] {strides = array<i32>} : memref<20x64xf32, #tpu.memory_space<vmem>>, vector<1x16xf32>,
    %swap3A_329 = vector.shape_cast %swap3A_328 : vector<1x16xf32> to vector<16xf32>
    %swap3A_330 = vector.shape_cast %broadcast_in_dim3A_324 : vector<16xf32> to vector<1x16xf32>
    tpu.vector_store %arg10[%swap3A_326, %swap3A_327], %swap3A_330 {strides = array<i32>} : memref<20x64xf32, #tpu.memory_space<vmem>>, vector<1x16xf32>,
    %broadcast_in_dim3A_331 = arith.constant 0.000000e+00 : f32
    %broadcast_in_dim3A_332 = vector.broadcast %broadcast_in_dim3A_331 : f32 to vector<16xf32>
    %swap3A_333 = arith.constant 8 : i32
    %swap3A_334 = arith.index_cast %swap3A_333 : i32 to index
    %swap3A_335 = arith.constant 32 : index
    %swap3A_336 = tpu.vector_load %arg10[%swap3A_334, %swap3A_335] {strides = array<i32>} : memref<20x64xf32, #tpu.memory_space<vmem>>, vector<1x16xf32>,
    %swap3A_337 = vector.shape_cast %swap3A_336 : vector<1x16xf32> to vector<16xf32>
    %swap3A_338 = vector.shape_cast %broadcast_in_dim3A_332 : vector<16xf32> to vector<1x16xf32>
    tpu.vector_store %arg10[%swap3A_334, %swap3A_335], %swap3A_338 {strides = array<i32>} : memref<20x64xf32, #tpu.memory_space<vmem>>, vector<1x16xf32>,
    %broadcast_in_dim3A_339 = arith.constant 0.000000e+00 : f32
    %broadcast_in_dim3A_340 = vector.broadcast %broadcast_in_dim3A_339 : f32 to vector<16xf32>
    %swap3A_341 = arith.constant 8 : i32
    %swap3A_342 = arith.index_cast %swap3A_341 : i32 to index
    %swap3A_343 = arith.constant 48 : index
    %swap3A_344 = tpu.vector_load %arg10[%swap3A_342, %swap3A_343] {strides = array<i32>} : memref<20x64xf32, #tpu.memory_space<vmem>>, vector<1x16xf32>,
    %swap3A_345 = vector.shape_cast %swap3A_344 : vector<1x16xf32> to vector<16xf32>
    %swap3A_346 = vector.shape_cast %broadcast_in_dim3A_340 : vector<16xf32> to vector<1x16xf32>
    tpu.vector_store %arg10[%swap3A_342, %swap3A_343], %swap3A_346 {strides = array<i32>} : memref<20x64xf32, #tpu.memory_space<vmem>>, vector<1x16xf32>,
    %broadcast_in_dim3A_347 = arith.constant 0.000000e+00 : f32
    %broadcast_in_dim3A_348 = vector.broadcast %broadcast_in_dim3A_347 : f32 to vector<16xf32>
    %swap3A_349 = arith.constant 9 : i32
    %swap3A_350 = arith.index_cast %swap3A_349 : i32 to index
    %swap3A_351 = arith.constant 0 : index
    %swap3A_352 = tpu.vector_load %arg10[%swap3A_350, %swap3A_351] {strides = array<i32>} : memref<20x64xf32, #tpu.memory_space<vmem>>, vector<1x16xf32>,
    %swap3A_353 = vector.shape_cast %swap3A_352 : vector<1x16xf32> to vector<16xf32>
    %swap3A_354 = vector.shape_cast %broadcast_in_dim3A_348 : vector<16xf32> to vector<1x16xf32>
    tpu.vector_store %arg10[%swap3A_350, %swap3A_351], %swap3A_354 {strides = array<i32>} : memref<20x64xf32, #tpu.memory_space<vmem>>, vector<1x16xf32>,
    %broadcast_in_dim3A_355 = arith.constant 0.000000e+00 : f32
    %broadcast_in_dim3A_356 = vector.broadcast %broadcast_in_dim3A_355 : f32 to vector<16xf32>
    %swap3A_357 = arith.constant 9 : i32
    %swap3A_358 = arith.index_cast %swap3A_357 : i32 to index
    %swap3A_359 = arith.constant 16 : index
    %swap3A_360 = tpu.vector_load %arg10[%swap3A_358, %swap3A_359] {strides = array<i32>} : memref<20x64xf32, #tpu.memory_space<vmem>>, vector<1x16xf32>,
    %swap3A_361 = vector.shape_cast %swap3A_360 : vector<1x16xf32> to vector<16xf32>
    %swap3A_362 = vector.shape_cast %broadcast_in_dim3A_356 : vector<16xf32> to vector<1x16xf32>
    tpu.vector_store %arg10[%swap3A_358, %swap3A_359], %swap3A_362 {strides = array<i32>} : memref<20x64xf32, #tpu.memory_space<vmem>>, vector<1x16xf32>,
    %broadcast_in_dim3A_363 = arith.constant 0.000000e+00 : f32
    %broadcast_in_dim3A_364 = vector.broadcast %broadcast_in_dim3A_363 : f32 to vector<16xf32>
    %swap3A_365 = arith.constant 9 : i32
    %swap3A_366 = arith.index_cast %swap3A_365 : i32 to index
    %swap3A_367 = arith.constant 32 : index
    %swap3A_368 = tpu.vector_load %arg10[%swap3A_366, %swap3A_367] {strides = array<i32>} : memref<20x64xf32, #tpu.memory_space<vmem>>, vector<1x16xf32>,
    %swap3A_369 = vector.shape_cast %swap3A_368 : vector<1x16xf32> to vector<16xf32>
    %swap3A_370 = vector.shape_cast %broadcast_in_dim3A_364 : vector<16xf32> to vector<1x16xf32>
    tpu.vector_store %arg10[%swap3A_366, %swap3A_367], %swap3A_370 {strides = array<i32>} : memref<20x64xf32, #tpu.memory_space<vmem>>, vector<1x16xf32>,
    %broadcast_in_dim3A_371 = arith.constant 0.000000e+00 : f32
    %broadcast_in_dim3A_372 = vector.broadcast %broadcast_in_dim3A_371 : f32 to vector<16xf32>
    %swap3A_373 = arith.constant 9 : i32
    %swap3A_374 = arith.index_cast %swap3A_373 : i32 to index
    %swap3A_375 = arith.constant 48 : index
    %swap3A_376 = tpu.vector_load %arg10[%swap3A_374, %swap3A_375] {strides = array<i32>} : memref<20x64xf32, #tpu.memory_space<vmem>>, vector<1x16xf32>,
    %swap3A_377 = vector.shape_cast %swap3A_376 : vector<1x16xf32> to vector<16xf32>
    %swap3A_378 = vector.shape_cast %broadcast_in_dim3A_372 : vector<16xf32> to vector<1x16xf32>
    tpu.vector_store %arg10[%swap3A_374, %swap3A_375], %swap3A_378 {strides = array<i32>} : memref<20x64xf32, #tpu.memory_space<vmem>>, vector<1x16xf32>,
    %broadcast_in_dim3A_379 = arith.constant 0.000000e+00 : f32
    %broadcast_in_dim3A_380 = vector.broadcast %broadcast_in_dim3A_379 : f32 to vector<16xf32>
    %swap3A_381 = arith.constant 10 : i32
    %swap3A_382 = arith.index_cast %swap3A_381 : i32 to index
    %swap3A_383 = arith.constant 0 : index
    %swap3A_384 = tpu.vector_load %arg10[%swap3A_382, %swap3A_383] {strides = array<i32>} : memref<20x64xf32, #tpu.memory_space<vmem>>, vector<1x16xf32>,
    %swap3A_385 = vector.shape_cast %swap3A_384 : vector<1x16xf32> to vector<16xf32>
    %swap3A_386 = vector.shape_cast %broadcast_in_dim3A_380 : vector<16xf32> to vector<1x16xf32>
    tpu.vector_store %arg10[%swap3A_382, %swap3A_383], %swap3A_386 {strides = array<i32>} : memref<20x64xf32, #tpu.memory_space<vmem>>, vector<1x16xf32>,
    %broadcast_in_dim3A_387 = arith.constant 0.000000e+00 : f32
    %broadcast_in_dim3A_388 = vector.broadcast %broadcast_in_dim3A_387 : f32 to vector<16xf32>
    %swap3A_389 = arith.constant 10 : i32
    %swap3A_390 = arith.index_cast %swap3A_389 : i32 to index
    %swap3A_391 = arith.constant 16 : index
    %swap3A_392 = tpu.vector_load %arg10[%swap3A_390, %swap3A_391] {strides = array<i32>} : memref<20x64xf32, #tpu.memory_space<vmem>>, vector<1x16xf32>,
    %swap3A_393 = vector.shape_cast %swap3A_392 : vector<1x16xf32> to vector<16xf32>
    %swap3A_394 = vector.shape_cast %broadcast_in_dim3A_388 : vector<16xf32> to vector<1x16xf32>
    tpu.vector_store %arg10[%swap3A_390, %swap3A_391], %swap3A_394 {strides = array<i32>} : memref<20x64xf32, #tpu.memory_space<vmem>>, vector<1x16xf32>,
    %broadcast_in_dim3A_395 = arith.constant 0.000000e+00 : f32
    %broadcast_in_dim3A_396 = vector.broadcast %broadcast_in_dim3A_395 : f32 to vector<16xf32>
    %swap3A_397 = arith.constant 10 : i32
    %swap3A_398 = arith.index_cast %swap3A_397 : i32 to index
    %swap3A_399 = arith.constant 32 : index
    %swap3A_400 = tpu.vector_load %arg10[%swap3A_398, %swap3A_399] {strides = array<i32>} : memref<20x64xf32, #tpu.memory_space<vmem>>, vector<1x16xf32>,
    %swap3A_401 = vector.shape_cast %swap3A_400 : vector<1x16xf32> to vector<16xf32>
    %swap3A_402 = vector.shape_cast %broadcast_in_dim3A_396 : vector<16xf32> to vector<1x16xf32>
    tpu.vector_store %arg10[%swap3A_398, %swap3A_399], %swap3A_402 {strides = array<i32>} : memref<20x64xf32, #tpu.memory_space<vmem>>, vector<1x16xf32>,
    %broadcast_in_dim3A_403 = arith.constant 0.000000e+00 : f32
    %broadcast_in_dim3A_404 = vector.broadcast %broadcast_in_dim3A_403 : f32 to vector<16xf32>
    %swap3A_405 = arith.constant 10 : i32
    %swap3A_406 = arith.index_cast %swap3A_405 : i32 to index
    %swap3A_407 = arith.constant 48 : index
    %swap3A_408 = tpu.vector_load %arg10[%swap3A_406, %swap3A_407] {strides = array<i32>} : memref<20x64xf32, #tpu.memory_space<vmem>>, vector<1x16xf32>,
    %swap3A_409 = vector.shape_cast %swap3A_408 : vector<1x16xf32> to vector<16xf32>
    %swap3A_410 = vector.shape_cast %broadcast_in_dim3A_404 : vector<16xf32> to vector<1x16xf32>
    tpu.vector_store %arg10[%swap3A_406, %swap3A_407], %swap3A_410 {strides = array<i32>} : memref<20x64xf32, #tpu.memory_space<vmem>>, vector<1x16xf32>,
    %broadcast_in_dim3A_411 = arith.constant 0.000000e+00 : f32
    %broadcast_in_dim3A_412 = vector.broadcast %broadcast_in_dim3A_411 : f32 to vector<16xf32>
    %swap3A_413 = arith.constant 11 : i32
    %swap3A_414 = arith.index_cast %swap3A_413 : i32 to index
    %swap3A_415 = arith.constant 0 : index
    %swap3A_416 = tpu.vector_load %arg10[%swap3A_414, %swap3A_415] {strides = array<i32>} : memref<20x64xf32, #tpu.memory_space<vmem>>, vector<1x16xf32>,
    %swap3A_417 = vector.shape_cast %swap3A_416 : vector<1x16xf32> to vector<16xf32>
    %swap3A_418 = vector.shape_cast %broadcast_in_dim3A_412 : vector<16xf32> to vector<1x16xf32>
    tpu.vector_store %arg10[%swap3A_414, %swap3A_415], %swap3A_418 {strides = array<i32>} : memref<20x64xf32, #tpu.memory_space<vmem>>, vector<1x16xf32>,
    %broadcast_in_dim3A_419 = arith.constant 0.000000e+00 : f32
    %broadcast_in_dim3A_420 = vector.broadcast %broadcast_in_dim3A_419 : f32 to vector<16xf32>
    %swap3A_421 = arith.constant 11 : i32
    %swap3A_422 = arith.index_cast %swap3A_421 : i32 to index
    %swap3A_423 = arith.constant 16 : index
    %swap3A_424 = tpu.vector_load %arg10[%swap3A_422, %swap3A_423] {strides = array<i32>} : memref<20x64xf32, #tpu.memory_space<vmem>>, vector<1x16xf32>,
    %swap3A_425 = vector.shape_cast %swap3A_424 : vector<1x16xf32> to vector<16xf32>
    %swap3A_426 = vector.shape_cast %broadcast_in_dim3A_420 : vector<16xf32> to vector<1x16xf32>
    tpu.vector_store %arg10[%swap3A_422, %swap3A_423], %swap3A_426 {strides = array<i32>} : memref<20x64xf32, #tpu.memory_space<vmem>>, vector<1x16xf32>,
    %broadcast_in_dim3A_427 = arith.constant 0.000000e+00 : f32
    %broadcast_in_dim3A_428 = vector.broadcast %broadcast_in_dim3A_427 : f32 to vector<16xf32>
    %swap3A_429 = arith.constant 11 : i32
    %swap3A_430 = arith.index_cast %swap3A_429 : i32 to index
    %swap3A_431 = arith.constant 32 : index
    %swap3A_432 = tpu.vector_load %arg10[%swap3A_430, %swap3A_431] {strides = array<i32>} : memref<20x64xf32, #tpu.memory_space<vmem>>, vector<1x16xf32>,
    %swap3A_433 = vector.shape_cast %swap3A_432 : vector<1x16xf32> to vector<16xf32>
    %swap3A_434 = vector.shape_cast %broadcast_in_dim3A_428 : vector<16xf32> to vector<1x16xf32>
    tpu.vector_store %arg10[%swap3A_430, %swap3A_431], %swap3A_434 {strides = array<i32>} : memref<20x64xf32, #tpu.memory_space<vmem>>, vector<1x16xf32>,
    %broadcast_in_dim3A_435 = arith.constant 0.000000e+00 : f32
    %broadcast_in_dim3A_436 = vector.broadcast %broadcast_in_dim3A_435 : f32 to vector<16xf32>
    %swap3A_437 = arith.constant 11 : i32
    %swap3A_438 = arith.index_cast %swap3A_437 : i32 to index
    %swap3A_439 = arith.constant 48 : index
    %swap3A_440 = tpu.vector_load %arg10[%swap3A_438, %swap3A_439] {strides = array<i32>} : memref<20x64xf32, #tpu.memory_space<vmem>>, vector<1x16xf32>,
    %swap3A_441 = vector.shape_cast %swap3A_440 : vector<1x16xf32> to vector<16xf32>
    %swap3A_442 = vector.shape_cast %broadcast_in_dim3A_436 : vector<16xf32> to vector<1x16xf32>
    tpu.vector_store %arg10[%swap3A_438, %swap3A_439], %swap3A_442 {strides = array<i32>} : memref<20x64xf32, #tpu.memory_space<vmem>>, vector<1x16xf32>,
    %broadcast_in_dim3A_443 = arith.constant 0.000000e+00 : f32
    %broadcast_in_dim3A_444 = vector.broadcast %broadcast_in_dim3A_443 : f32 to vector<16xf32>
    %swap3A_445 = arith.constant 12 : i32
    %swap3A_446 = arith.index_cast %swap3A_445 : i32 to index
    %swap3A_447 = arith.constant 0 : index
    %swap3A_448 = tpu.vector_load %arg10[%swap3A_446, %swap3A_447] {strides = array<i32>} : memref<20x64xf32, #tpu.memory_space<vmem>>, vector<1x16xf32>,
    %swap3A_449 = vector.shape_cast %swap3A_448 : vector<1x16xf32> to vector<16xf32>
    %swap3A_450 = vector.shape_cast %broadcast_in_dim3A_444 : vector<16xf32> to vector<1x16xf32>
    tpu.vector_store %arg10[%swap3A_446, %swap3A_447], %swap3A_450 {strides = array<i32>} : memref<20x64xf32, #tpu.memory_space<vmem>>, vector<1x16xf32>,
    %broadcast_in_dim3A_451 = arith.constant 0.000000e+00 : f32
    %broadcast_in_dim3A_452 = vector.broadcast %broadcast_in_dim3A_451 : f32 to vector<16xf32>
    %swap3A_453 = arith.constant 12 : i32
    %swap3A_454 = arith.index_cast %swap3A_453 : i32 to index
    %swap3A_455 = arith.constant 16 : index
    %swap3A_456 = tpu.vector_load %arg10[%swap3A_454, %swap3A_455] {strides = array<i32>} : memref<20x64xf32, #tpu.memory_space<vmem>>, vector<1x16xf32>,
    %swap3A_457 = vector.shape_cast %swap3A_456 : vector<1x16xf32> to vector<16xf32>
    %swap3A_458 = vector.shape_cast %broadcast_in_dim3A_452 : vector<16xf32> to vector<1x16xf32>
    tpu.vector_store %arg10[%swap3A_454, %swap3A_455], %swap3A_458 {strides = array<i32>} : memref<20x64xf32, #tpu.memory_space<vmem>>, vector<1x16xf32>,
    %broadcast_in_dim3A_459 = arith.constant 0.000000e+00 : f32
    %broadcast_in_dim3A_460 = vector.broadcast %broadcast_in_dim3A_459 : f32 to vector<16xf32>
    %swap3A_461 = arith.constant 12 : i32
    %swap3A_462 = arith.index_cast %swap3A_461 : i32 to index
    %swap3A_463 = arith.constant 32 : index
    %swap3A_464 = tpu.vector_load %arg10[%swap3A_462, %swap3A_463] {strides = array<i32>} : memref<20x64xf32, #tpu.memory_space<vmem>>, vector<1x16xf32>,
    %swap3A_465 = vector.shape_cast %swap3A_464 : vector<1x16xf32> to vector<16xf32>
    %swap3A_466 = vector.shape_cast %broadcast_in_dim3A_460 : vector<16xf32> to vector<1x16xf32>
    tpu.vector_store %arg10[%swap3A_462, %swap3A_463], %swap3A_466 {strides = array<i32>} : memref<20x64xf32, #tpu.memory_space<vmem>>, vector<1x16xf32>,
    %broadcast_in_dim3A_467 = arith.constant 0.000000e+00 : f32
    %broadcast_in_dim3A_468 = vector.broadcast %broadcast_in_dim3A_467 : f32 to vector<16xf32>
    %swap3A_469 = arith.constant 12 : i32
    %swap3A_470 = arith.index_cast %swap3A_469 : i32 to index
    %swap3A_471 = arith.constant 48 : index
    %swap3A_472 = tpu.vector_load %arg10[%swap3A_470, %swap3A_471] {strides = array<i32>} : memref<20x64xf32, #tpu.memory_space<vmem>>, vector<1x16xf32>,
    %swap3A_473 = vector.shape_cast %swap3A_472 : vector<1x16xf32> to vector<16xf32>
    %swap3A_474 = vector.shape_cast %broadcast_in_dim3A_468 : vector<16xf32> to vector<1x16xf32>
    tpu.vector_store %arg10[%swap3A_470, %swap3A_471], %swap3A_474 {strides = array<i32>} : memref<20x64xf32, #tpu.memory_space<vmem>>, vector<1x16xf32>,
    %broadcast_in_dim3A_475 = arith.constant 0.000000e+00 : f32
    %broadcast_in_dim3A_476 = vector.broadcast %broadcast_in_dim3A_475 : f32 to vector<16xf32>
    %swap3A_477 = arith.constant 13 : i32
    %swap3A_478 = arith.index_cast %swap3A_477 : i32 to index
    %swap3A_479 = arith.constant 0 : index
    %swap3A_480 = tpu.vector_load %arg10[%swap3A_478, %swap3A_479] {strides = array<i32>} : memref<20x64xf32, #tpu.memory_space<vmem>>, vector<1x16xf32>,
    %swap3A_481 = vector.shape_cast %swap3A_480 : vector<1x16xf32> to vector<16xf32>
    %swap3A_482 = vector.shape_cast %broadcast_in_dim3A_476 : vector<16xf32> to vector<1x16xf32>
    tpu.vector_store %arg10[%swap3A_478, %swap3A_479], %swap3A_482 {strides = array<i32>} : memref<20x64xf32, #tpu.memory_space<vmem>>, vector<1x16xf32>,
    %broadcast_in_dim3A_483 = arith.constant 0.000000e+00 : f32
    %broadcast_in_dim3A_484 = vector.broadcast %broadcast_in_dim3A_483 : f32 to vector<16xf32>
    %swap3A_485 = arith.constant 13 : i32
    %swap3A_486 = arith.index_cast %swap3A_485 : i32 to index
    %swap3A_487 = arith.constant 16 : index
    %swap3A_488 = tpu.vector_load %arg10[%swap3A_486, %swap3A_487] {strides = array<i32>} : memref<20x64xf32, #tpu.memory_space<vmem>>, vector<1x16xf32>,
    %swap3A_489 = vector.shape_cast %swap3A_488 : vector<1x16xf32> to vector<16xf32>
    %swap3A_490 = vector.shape_cast %broadcast_in_dim3A_484 : vector<16xf32> to vector<1x16xf32>
    tpu.vector_store %arg10[%swap3A_486, %swap3A_487], %swap3A_490 {strides = array<i32>} : memref<20x64xf32, #tpu.memory_space<vmem>>, vector<1x16xf32>,
    %broadcast_in_dim3A_491 = arith.constant 0.000000e+00 : f32
    %broadcast_in_dim3A_492 = vector.broadcast %broadcast_in_dim3A_491 : f32 to vector<16xf32>
    %swap3A_493 = arith.constant 13 : i32
    %swap3A_494 = arith.index_cast %swap3A_493 : i32 to index
    %swap3A_495 = arith.constant 32 : index
    %swap3A_496 = tpu.vector_load %arg10[%swap3A_494, %swap3A_495] {strides = array<i32>} : memref<20x64xf32, #tpu.memory_space<vmem>>, vector<1x16xf32>,
    %swap3A_497 = vector.shape_cast %swap3A_496 : vector<1x16xf32> to vector<16xf32>
    %swap3A_498 = vector.shape_cast %broadcast_in_dim3A_492 : vector<16xf32> to vector<1x16xf32>
    tpu.vector_store %arg10[%swap3A_494, %swap3A_495], %swap3A_498 {strides = array<i32>} : memref<20x64xf32, #tpu.memory_space<vmem>>, vector<1x16xf32>,
    %broadcast_in_dim3A_499 = arith.constant 0.000000e+00 : f32
    %broadcast_in_dim3A_500 = vector.broadcast %broadcast_in_dim3A_499 : f32 to vector<16xf32>
    %swap3A_501 = arith.constant 13 : i32
    %swap3A_502 = arith.index_cast %swap3A_501 : i32 to index
    %swap3A_503 = arith.constant 48 : index
    %swap3A_504 = tpu.vector_load %arg10[%swap3A_502, %swap3A_503] {strides = array<i32>} : memref<20x64xf32, #tpu.memory_space<vmem>>, vector<1x16xf32>,
    %swap3A_505 = vector.shape_cast %swap3A_504 : vector<1x16xf32> to vector<16xf32>
    %swap3A_506 = vector.shape_cast %broadcast_in_dim3A_500 : vector<16xf32> to vector<1x16xf32>
    tpu.vector_store %arg10[%swap3A_502, %swap3A_503], %swap3A_506 {strides = array<i32>} : memref<20x64xf32, #tpu.memory_space<vmem>>, vector<1x16xf32>,
    %broadcast_in_dim3A_507 = arith.constant 0.000000e+00 : f32
    %broadcast_in_dim3A_508 = vector.broadcast %broadcast_in_dim3A_507 : f32 to vector<16xf32>
    %swap3A_509 = arith.constant 14 : i32
    %swap3A_510 = arith.index_cast %swap3A_509 : i32 to index
    %swap3A_511 = arith.constant 0 : index
    %swap3A_512 = tpu.vector_load %arg10[%swap3A_510, %swap3A_511] {strides = array<i32>} : memref<20x64xf32, #tpu.memory_space<vmem>>, vector<1x16xf32>,
    %swap3A_513 = vector.shape_cast %swap3A_512 : vector<1x16xf32> to vector<16xf32>
    %swap3A_514 = vector.shape_cast %broadcast_in_dim3A_508 : vector<16xf32> to vector<1x16xf32>
    tpu.vector_store %arg10[%swap3A_510, %swap3A_511], %swap3A_514 {strides = array<i32>} : memref<20x64xf32, #tpu.memory_space<vmem>>, vector<1x16xf32>,
    %broadcast_in_dim3A_515 = arith.constant 0.000000e+00 : f32
    %broadcast_in_dim3A_516 = vector.broadcast %broadcast_in_dim3A_515 : f32 to vector<16xf32>
    %swap3A_517 = arith.constant 14 : i32
    %swap3A_518 = arith.index_cast %swap3A_517 : i32 to index
    %swap3A_519 = arith.constant 16 : index
    %swap3A_520 = tpu.vector_load %arg10[%swap3A_518, %swap3A_519] {strides = array<i32>} : memref<20x64xf32, #tpu.memory_space<vmem>>, vector<1x16xf32>,
    %swap3A_521 = vector.shape_cast %swap3A_520 : vector<1x16xf32> to vector<16xf32>
    %swap3A_522 = vector.shape_cast %broadcast_in_dim3A_516 : vector<16xf32> to vector<1x16xf32>
    tpu.vector_store %arg10[%swap3A_518, %swap3A_519], %swap3A_522 {strides = array<i32>} : memref<20x64xf32, #tpu.memory_space<vmem>>, vector<1x16xf32>,
    %broadcast_in_dim3A_523 = arith.constant 0.000000e+00 : f32
    %broadcast_in_dim3A_524 = vector.broadcast %broadcast_in_dim3A_523 : f32 to vector<16xf32>
    %swap3A_525 = arith.constant 14 : i32
    %swap3A_526 = arith.index_cast %swap3A_525 : i32 to index
    %swap3A_527 = arith.constant 32 : index
    %swap3A_528 = tpu.vector_load %arg10[%swap3A_526, %swap3A_527] {strides = array<i32>} : memref<20x64xf32, #tpu.memory_space<vmem>>, vector<1x16xf32>,
    %swap3A_529 = vector.shape_cast %swap3A_528 : vector<1x16xf32> to vector<16xf32>
    %swap3A_530 = vector.shape_cast %broadcast_in_dim3A_524 : vector<16xf32> to vector<1x16xf32>
    tpu.vector_store %arg10[%swap3A_526, %swap3A_527], %swap3A_530 {strides = array<i32>} : memref<20x64xf32, #tpu.memory_space<vmem>>, vector<1x16xf32>,
    %broadcast_in_dim3A_531 = arith.constant 0.000000e+00 : f32
    %broadcast_in_dim3A_532 = vector.broadcast %broadcast_in_dim3A_531 : f32 to vector<16xf32>
    %swap3A_533 = arith.constant 14 : i32
    %swap3A_534 = arith.index_cast %swap3A_533 : i32 to index
    %swap3A_535 = arith.constant 48 : index
    %swap3A_536 = tpu.vector_load %arg10[%swap3A_534, %swap3A_535] {strides = array<i32>} : memref<20x64xf32, #tpu.memory_space<vmem>>, vector<1x16xf32>,
    %swap3A_537 = vector.shape_cast %swap3A_536 : vector<1x16xf32> to vector<16xf32>
    %swap3A_538 = vector.shape_cast %broadcast_in_dim3A_532 : vector<16xf32> to vector<1x16xf32>
    tpu.vector_store %arg10[%swap3A_534, %swap3A_535], %swap3A_538 {strides = array<i32>} : memref<20x64xf32, #tpu.memory_space<vmem>>, vector<1x16xf32>,
    %broadcast_in_dim3A_539 = arith.constant 0.000000e+00 : f32
    %broadcast_in_dim3A_540 = vector.broadcast %broadcast_in_dim3A_539 : f32 to vector<16xf32>
    %swap3A_541 = arith.constant 15 : i32
    %swap3A_542 = arith.index_cast %swap3A_541 : i32 to index
    %swap3A_543 = arith.constant 0 : index
    %swap3A_544 = tpu.vector_load %arg10[%swap3A_542, %swap3A_543] {strides = array<i32>} : memref<20x64xf32, #tpu.memory_space<vmem>>, vector<1x16xf32>,
    %swap3A_545 = vector.shape_cast %swap3A_544 : vector<1x16xf32> to vector<16xf32>
    %swap3A_546 = vector.shape_cast %broadcast_in_dim3A_540 : vector<16xf32> to vector<1x16xf32>
    tpu.vector_store %arg10[%swap3A_542, %swap3A_543], %swap3A_546 {strides = array<i32>} : memref<20x64xf32, #tpu.memory_space<vmem>>, vector<1x16xf32>,
    %broadcast_in_dim3A_547 = arith.constant 0.000000e+00 : f32
    %broadcast_in_dim3A_548 = vector.broadcast %broadcast_in_dim3A_547 : f32 to vector<16xf32>
    %swap3A_549 = arith.constant 15 : i32
    %swap3A_550 = arith.index_cast %swap3A_549 : i32 to index
    %swap3A_551 = arith.constant 16 : index
    %swap3A_552 = tpu.vector_load %arg10[%swap3A_550, %swap3A_551] {strides = array<i32>} : memref<20x64xf32, #tpu.memory_space<vmem>>, vector<1x16xf32>,
    %swap3A_553 = vector.shape_cast %swap3A_552 : vector<1x16xf32> to vector<16xf32>
    %swap3A_554 = vector.shape_cast %broadcast_in_dim3A_548 : vector<16xf32> to vector<1x16xf32>
    tpu.vector_store %arg10[%swap3A_550, %swap3A_551], %swap3A_554 {strides = array<i32>} : memref<20x64xf32, #tpu.memory_space<vmem>>, vector<1x16xf32>,
    %broadcast_in_dim3A_555 = arith.constant 0.000000e+00 : f32
    %broadcast_in_dim3A_556 = vector.broadcast %broadcast_in_dim3A_555 : f32 to vector<16xf32>
    %swap3A_557 = arith.constant 15 : i32
    %swap3A_558 = arith.index_cast %swap3A_557 : i32 to index
    %swap3A_559 = arith.constant 32 : index
    %swap3A_560 = tpu.vector_load %arg10[%swap3A_558, %swap3A_559] {strides = array<i32>} : memref<20x64xf32, #tpu.memory_space<vmem>>, vector<1x16xf32>,
    %swap3A_561 = vector.shape_cast %swap3A_560 : vector<1x16xf32> to vector<16xf32>
    %swap3A_562 = vector.shape_cast %broadcast_in_dim3A_556 : vector<16xf32> to vector<1x16xf32>
    tpu.vector_store %arg10[%swap3A_558, %swap3A_559], %swap3A_562 {strides = array<i32>} : memref<20x64xf32, #tpu.memory_space<vmem>>, vector<1x16xf32>,
    %broadcast_in_dim3A_563 = arith.constant 0.000000e+00 : f32
    %broadcast_in_dim3A_564 = vector.broadcast %broadcast_in_dim3A_563 : f32 to vector<16xf32>
    %swap3A_565 = arith.constant 15 : i32
    %swap3A_566 = arith.index_cast %swap3A_565 : i32 to index
    %swap3A_567 = arith.constant 48 : index
    %swap3A_568 = tpu.vector_load %arg10[%swap3A_566, %swap3A_567] {strides = array<i32>} : memref<20x64xf32, #tpu.memory_space<vmem>>, vector<1x16xf32>,
    %swap3A_569 = vector.shape_cast %swap3A_568 : vector<1x16xf32> to vector<16xf32>
    %swap3A_570 = vector.shape_cast %broadcast_in_dim3A_564 : vector<16xf32> to vector<1x16xf32>
    tpu.vector_store %arg10[%swap3A_566, %swap3A_567], %swap3A_570 {strides = array<i32>} : memref<20x64xf32, #tpu.memory_space<vmem>>, vector<1x16xf32>,
    %broadcast_in_dim3A_571 = arith.constant 0.000000e+00 : f32
    %broadcast_in_dim3A_572 = vector.broadcast %broadcast_in_dim3A_571 : f32 to vector<16xf32>
    %swap3A_573 = arith.constant 16 : i32
    %swap3A_574 = arith.index_cast %swap3A_573 : i32 to index
    %swap3A_575 = arith.constant 0 : index
    %swap3A_576 = tpu.vector_load %arg10[%swap3A_574, %swap3A_575] {strides = array<i32>} : memref<20x64xf32, #tpu.memory_space<vmem>>, vector<1x16xf32>,
    %swap3A_577 = vector.shape_cast %swap3A_576 : vector<1x16xf32> to vector<16xf32>
    %swap3A_578 = vector.shape_cast %broadcast_in_dim3A_572 : vector<16xf32> to vector<1x16xf32>
    tpu.vector_store %arg10[%swap3A_574, %swap3A_575], %swap3A_578 {strides = array<i32>} : memref<20x64xf32, #tpu.memory_space<vmem>>, vector<1x16xf32>,
    %broadcast_in_dim3A_579 = arith.constant 0.000000e+00 : f32
    %broadcast_in_dim3A_580 = vector.broadcast %broadcast_in_dim3A_579 : f32 to vector<16xf32>
    %swap3A_581 = arith.constant 16 : i32
    %swap3A_582 = arith.index_cast %swap3A_581 : i32 to index
    %swap3A_583 = arith.constant 16 : index
    %swap3A_584 = tpu.vector_load %arg10[%swap3A_582, %swap3A_583] {strides = array<i32>} : memref<20x64xf32, #tpu.memory_space<vmem>>, vector<1x16xf32>,
    %swap3A_585 = vector.shape_cast %swap3A_584 : vector<1x16xf32> to vector<16xf32>
    %swap3A_586 = vector.shape_cast %broadcast_in_dim3A_580 : vector<16xf32> to vector<1x16xf32>
    tpu.vector_store %arg10[%swap3A_582, %swap3A_583], %swap3A_586 {strides = array<i32>} : memref<20x64xf32, #tpu.memory_space<vmem>>, vector<1x16xf32>,
    %broadcast_in_dim3A_587 = arith.constant 0.000000e+00 : f32
    %broadcast_in_dim3A_588 = vector.broadcast %broadcast_in_dim3A_587 : f32 to vector<16xf32>
    %swap3A_589 = arith.constant 16 : i32
    %swap3A_590 = arith.index_cast %swap3A_589 : i32 to index
    %swap3A_591 = arith.constant 32 : index
    %swap3A_592 = tpu.vector_load %arg10[%swap3A_590, %swap3A_591] {strides = array<i32>} : memref<20x64xf32, #tpu.memory_space<vmem>>, vector<1x16xf32>,
    %swap3A_593 = vector.shape_cast %swap3A_592 : vector<1x16xf32> to vector<16xf32>
    %swap3A_594 = vector.shape_cast %broadcast_in_dim3A_588 : vector<16xf32> to vector<1x16xf32>
    tpu.vector_store %arg10[%swap3A_590, %swap3A_591], %swap3A_594 {strides = array<i32>} : memref<20x64xf32, #tpu.memory_space<vmem>>, vector<1x16xf32>,
    %broadcast_in_dim3A_595 = arith.constant 0.000000e+00 : f32
    %broadcast_in_dim3A_596 = vector.broadcast %broadcast_in_dim3A_595 : f32 to vector<16xf32>
    %swap3A_597 = arith.constant 16 : i32
    %swap3A_598 = arith.index_cast %swap3A_597 : i32 to index
    %swap3A_599 = arith.constant 48 : index
    %swap3A_600 = tpu.vector_load %arg10[%swap3A_598, %swap3A_599] {strides = array<i32>} : memref<20x64xf32, #tpu.memory_space<vmem>>, vector<1x16xf32>,
    %swap3A_601 = vector.shape_cast %swap3A_600 : vector<1x16xf32> to vector<16xf32>
    %swap3A_602 = vector.shape_cast %broadcast_in_dim3A_596 : vector<16xf32> to vector<1x16xf32>
    tpu.vector_store %arg10[%swap3A_598, %swap3A_599], %swap3A_602 {strides = array<i32>} : memref<20x64xf32, #tpu.memory_space<vmem>>, vector<1x16xf32>,
    %broadcast_in_dim3A_603 = arith.constant 0.000000e+00 : f32
    %broadcast_in_dim3A_604 = vector.broadcast %broadcast_in_dim3A_603 : f32 to vector<16xf32>
    %swap3A_605 = arith.constant 17 : i32
    %swap3A_606 = arith.index_cast %swap3A_605 : i32 to index
    %swap3A_607 = arith.constant 0 : index
    %swap3A_608 = tpu.vector_load %arg10[%swap3A_606, %swap3A_607] {strides = array<i32>} : memref<20x64xf32, #tpu.memory_space<vmem>>, vector<1x16xf32>,
    %swap3A_609 = vector.shape_cast %swap3A_608 : vector<1x16xf32> to vector<16xf32>
    %swap3A_610 = vector.shape_cast %broadcast_in_dim3A_604 : vector<16xf32> to vector<1x16xf32>
    tpu.vector_store %arg10[%swap3A_606, %swap3A_607], %swap3A_610 {strides = array<i32>} : memref<20x64xf32, #tpu.memory_space<vmem>>, vector<1x16xf32>,
    %broadcast_in_dim3A_611 = arith.constant 0.000000e+00 : f32
    %broadcast_in_dim3A_612 = vector.broadcast %broadcast_in_dim3A_611 : f32 to vector<16xf32>
    %swap3A_613 = arith.constant 17 : i32
    %swap3A_614 = arith.index_cast %swap3A_613 : i32 to index
    %swap3A_615 = arith.constant 16 : index
    %swap3A_616 = tpu.vector_load %arg10[%swap3A_614, %swap3A_615] {strides = array<i32>} : memref<20x64xf32, #tpu.memory_space<vmem>>, vector<1x16xf32>,
    %swap3A_617 = vector.shape_cast %swap3A_616 : vector<1x16xf32> to vector<16xf32>
    %swap3A_618 = vector.shape_cast %broadcast_in_dim3A_612 : vector<16xf32> to vector<1x16xf32>
    tpu.vector_store %arg10[%swap3A_614, %swap3A_615], %swap3A_618 {strides = array<i32>} : memref<20x64xf32, #tpu.memory_space<vmem>>, vector<1x16xf32>,
    %broadcast_in_dim3A_619 = arith.constant 0.000000e+00 : f32
    %broadcast_in_dim3A_620 = vector.broadcast %broadcast_in_dim3A_619 : f32 to vector<16xf32>
    %swap3A_621 = arith.constant 17 : i32
    %swap3A_622 = arith.index_cast %swap3A_621 : i32 to index
    %swap3A_623 = arith.constant 32 : index
    %swap3A_624 = tpu.vector_load %arg10[%swap3A_622, %swap3A_623] {strides = array<i32>} : memref<20x64xf32, #tpu.memory_space<vmem>>, vector<1x16xf32>,
    %swap3A_625 = vector.shape_cast %swap3A_624 : vector<1x16xf32> to vector<16xf32>
    %swap3A_626 = vector.shape_cast %broadcast_in_dim3A_620 : vector<16xf32> to vector<1x16xf32>
    tpu.vector_store %arg10[%swap3A_622, %swap3A_623], %swap3A_626 {strides = array<i32>} : memref<20x64xf32, #tpu.memory_space<vmem>>, vector<1x16xf32>,
    %broadcast_in_dim3A_627 = arith.constant 0.000000e+00 : f32
    %broadcast_in_dim3A_628 = vector.broadcast %broadcast_in_dim3A_627 : f32 to vector<16xf32>
    %swap3A_629 = arith.constant 17 : i32
    %swap3A_630 = arith.index_cast %swap3A_629 : i32 to index
    %swap3A_631 = arith.constant 48 : index
    %swap3A_632 = tpu.vector_load %arg10[%swap3A_630, %swap3A_631] {strides = array<i32>} : memref<20x64xf32, #tpu.memory_space<vmem>>, vector<1x16xf32>,
    %swap3A_633 = vector.shape_cast %swap3A_632 : vector<1x16xf32> to vector<16xf32>
    %swap3A_634 = vector.shape_cast %broadcast_in_dim3A_628 : vector<16xf32> to vector<1x16xf32>
    tpu.vector_store %arg10[%swap3A_630, %swap3A_631], %swap3A_634 {strides = array<i32>} : memref<20x64xf32, #tpu.memory_space<vmem>>, vector<1x16xf32>,
    %broadcast_in_dim3A_635 = arith.constant 0.000000e+00 : f32
    %broadcast_in_dim3A_636 = vector.broadcast %broadcast_in_dim3A_635 : f32 to vector<16xf32>
    %swap3A_637 = arith.constant 18 : i32
    %swap3A_638 = arith.index_cast %swap3A_637 : i32 to index
    %swap3A_639 = arith.constant 0 : index
    %swap3A_640 = tpu.vector_load %arg10[%swap3A_638, %swap3A_639] {strides = array<i32>} : memref<20x64xf32, #tpu.memory_space<vmem>>, vector<1x16xf32>,
    %swap3A_641 = vector.shape_cast %swap3A_640 : vector<1x16xf32> to vector<16xf32>
    %swap3A_642 = vector.shape_cast %broadcast_in_dim3A_636 : vector<16xf32> to vector<1x16xf32>
    tpu.vector_store %arg10[%swap3A_638, %swap3A_639], %swap3A_642 {strides = array<i32>} : memref<20x64xf32, #tpu.memory_space<vmem>>, vector<1x16xf32>,
    %broadcast_in_dim3A_643 = arith.constant 0.000000e+00 : f32
    %broadcast_in_dim3A_644 = vector.broadcast %broadcast_in_dim3A_643 : f32 to vector<16xf32>
    %swap3A_645 = arith.constant 18 : i32
    %swap3A_646 = arith.index_cast %swap3A_645 : i32 to index
    %swap3A_647 = arith.constant 16 : index
    %swap3A_648 = tpu.vector_load %arg10[%swap3A_646, %swap3A_647] {strides = array<i32>} : memref<20x64xf32, #tpu.memory_space<vmem>>, vector<1x16xf32>,
    %swap3A_649 = vector.shape_cast %swap3A_648 : vector<1x16xf32> to vector<16xf32>
    %swap3A_650 = vector.shape_cast %broadcast_in_dim3A_644 : vector<16xf32> to vector<1x16xf32>
    tpu.vector_store %arg10[%swap3A_646, %swap3A_647], %swap3A_650 {strides = array<i32>} : memref<20x64xf32, #tpu.memory_space<vmem>>, vector<1x16xf32>,
    %broadcast_in_dim3A_651 = arith.constant 0.000000e+00 : f32
    %broadcast_in_dim3A_652 = vector.broadcast %broadcast_in_dim3A_651 : f32 to vector<16xf32>
    %swap3A_653 = arith.constant 18 : i32
    %swap3A_654 = arith.index_cast %swap3A_653 : i32 to index
    %swap3A_655 = arith.constant 32 : index
    %swap3A_656 = tpu.vector_load %arg10[%swap3A_654, %swap3A_655] {strides = array<i32>} : memref<20x64xf32, #tpu.memory_space<vmem>>, vector<1x16xf32>,
    %swap3A_657 = vector.shape_cast %swap3A_656 : vector<1x16xf32> to vector<16xf32>
    %swap3A_658 = vector.shape_cast %broadcast_in_dim3A_652 : vector<16xf32> to vector<1x16xf32>
    tpu.vector_store %arg10[%swap3A_654, %swap3A_655], %swap3A_658 {strides = array<i32>} : memref<20x64xf32, #tpu.memory_space<vmem>>, vector<1x16xf32>,
    %broadcast_in_dim3A_659 = arith.constant 0.000000e+00 : f32
    %broadcast_in_dim3A_660 = vector.broadcast %broadcast_in_dim3A_659 : f32 to vector<16xf32>
    %swap3A_661 = arith.constant 18 : i32
    %swap3A_662 = arith.index_cast %swap3A_661 : i32 to index
    %swap3A_663 = arith.constant 48 : index
    %swap3A_664 = tpu.vector_load %arg10[%swap3A_662, %swap3A_663] {strides = array<i32>} : memref<20x64xf32, #tpu.memory_space<vmem>>, vector<1x16xf32>,
    %swap3A_665 = vector.shape_cast %swap3A_664 : vector<1x16xf32> to vector<16xf32>
    %swap3A_666 = vector.shape_cast %broadcast_in_dim3A_660 : vector<16xf32> to vector<1x16xf32>
    tpu.vector_store %arg10[%swap3A_662, %swap3A_663], %swap3A_666 {strides = array<i32>} : memref<20x64xf32, #tpu.memory_space<vmem>>, vector<1x16xf32>,
    %broadcast_in_dim3A_667 = arith.constant 0.000000e+00 : f32
    %broadcast_in_dim3A_668 = vector.broadcast %broadcast_in_dim3A_667 : f32 to vector<16xf32>
    %swap3A_669 = arith.constant 19 : i32
    %swap3A_670 = arith.index_cast %swap3A_669 : i32 to index
    %swap3A_671 = arith.constant 0 : index
    %swap3A_672 = tpu.vector_load %arg10[%swap3A_670, %swap3A_671] {strides = array<i32>} : memref<20x64xf32, #tpu.memory_space<vmem>>, vector<1x16xf32>,
    %swap3A_673 = vector.shape_cast %swap3A_672 : vector<1x16xf32> to vector<16xf32>
    %swap3A_674 = vector.shape_cast %broadcast_in_dim3A_668 : vector<16xf32> to vector<1x16xf32>
    tpu.vector_store %arg10[%swap3A_670, %swap3A_671], %swap3A_674 {strides = array<i32>} : memref<20x64xf32, #tpu.memory_space<vmem>>, vector<1x16xf32>,
    %broadcast_in_dim3A_675 = arith.constant 0.000000e+00 : f32
    %broadcast_in_dim3A_676 = vector.broadcast %broadcast_in_dim3A_675 : f32 to vector<16xf32>
    %swap3A_677 = arith.constant 19 : i32
    %swap3A_678 = arith.index_cast %swap3A_677 : i32 to index
    %swap3A_679 = arith.constant 16 : index
    %swap3A_680 = tpu.vector_load %arg10[%swap3A_678, %swap3A_679] {strides = array<i32>} : memref<20x64xf32, #tpu.memory_space<vmem>>, vector<1x16xf32>,
    %swap3A_681 = vector.shape_cast %swap3A_680 : vector<1x16xf32> to vector<16xf32>
    %swap3A_682 = vector.shape_cast %broadcast_in_dim3A_676 : vector<16xf32> to vector<1x16xf32>
    tpu.vector_store %arg10[%swap3A_678, %swap3A_679], %swap3A_682 {strides = array<i32>} : memref<20x64xf32, #tpu.memory_space<vmem>>, vector<1x16xf32>,
    %broadcast_in_dim3A_683 = arith.constant 0.000000e+00 : f32
    %broadcast_in_dim3A_684 = vector.broadcast %broadcast_in_dim3A_683 : f32 to vector<16xf32>
    %swap3A_685 = arith.constant 19 : i32
    %swap3A_686 = arith.index_cast %swap3A_685 : i32 to index
    %swap3A_687 = arith.constant 32 : index
    %swap3A_688 = tpu.vector_load %arg10[%swap3A_686, %swap3A_687] {strides = array<i32>} : memref<20x64xf32, #tpu.memory_space<vmem>>, vector<1x16xf32>,
    %swap3A_689 = vector.shape_cast %swap3A_688 : vector<1x16xf32> to vector<16xf32>
    %swap3A_690 = vector.shape_cast %broadcast_in_dim3A_684 : vector<16xf32> to vector<1x16xf32>
    tpu.vector_store %arg10[%swap3A_686, %swap3A_687], %swap3A_690 {strides = array<i32>} : memref<20x64xf32, #tpu.memory_space<vmem>>, vector<1x16xf32>,
    %broadcast_in_dim3A_691 = arith.constant 0.000000e+00 : f32
    %broadcast_in_dim3A_692 = vector.broadcast %broadcast_in_dim3A_691 : f32 to vector<16xf32>
    %swap3A_693 = arith.constant 19 : i32
    %swap3A_694 = arith.index_cast %swap3A_693 : i32 to index
    %swap3A_695 = arith.constant 48 : index
    %swap3A_696 = tpu.vector_load %arg10[%swap3A_694, %swap3A_695] {strides = array<i32>} : memref<20x64xf32, #tpu.memory_space<vmem>>, vector<1x16xf32>,
    %swap3A_697 = vector.shape_cast %swap3A_696 : vector<1x16xf32> to vector<16xf32>
    %swap3A_698 = vector.shape_cast %broadcast_in_dim3A_692 : vector<16xf32> to vector<1x16xf32>
    tpu.vector_store %arg10[%swap3A_694, %swap3A_695], %swap3A_698 {strides = array<i32>} : memref<20x64xf32, #tpu.memory_space<vmem>>, vector<1x16xf32>,
    %eq3A = arith.constant 0 : i32
    %eq3A_699 = arith.cmpi eq, %arg1, %eq3A : i32
    %convert_element_type3A = arith.extui %eq3A_699 : i1 to i32
    %cond3A = arith.constant 0 : i32
    %cond3A_700 = arith.cmpi ne, %convert_element_type3A, %cond3A : i32
    scf.if %cond3A_700 {
      "tpu.region"() ({
        %run_scoped3A = tpu.sem_alloc : memref<!tpu.dma_semaphore, #tpu.memory_space<semaphore_mem>>
        tpu.enqueue_dma source(%arg10 : memref<20x64xf32, #tpu.memory_space<vmem>>) target(%arg11 : memref<20x64xf32, #tpu.memory_space<vmem_shared>>) target_semaphore(%run_scoped3A : memref<!tpu.dma_semaphore, #tpu.memory_space<semaphore_mem>>)
        tpu.wait_dma2 semaphore(%run_scoped3A : memref<!tpu.dma_semaphore, #tpu.memory_space<semaphore_mem>>) src(%arg10 : memref<20x64xf32, #tpu.memory_space<vmem>>) dst(%arg11 : memref<20x64xf32, #tpu.memory_space<vmem_shared>>)
        tpu.yield
      }) : () -> ()
    } else {
    }
    %barrier3A = arith.constant 0 : index
    tpu.barrier barrier_id(%barrier3A)
    %dma_start3A = arith.constant 0 : i32
    %dma_start3A_701 = tpu.memref_slice %arg6[%dma_start3A] : memref<10240xi32, #tpu.memory_space<vmem>> -> memref<80xi32, #tpu.memory_space<vmem>>
    %dma_start3A_702 = arith.constant 0 : i32
    %dma_start3A_703 = arith.constant 0 : i32
    %dma_start3A_704 = tpu.memref_slice %arg3[%dma_start3A_702, %dma_start3A_703] : memref<1000000x64xf32, #tpu.memory_space<hbm>> -> memref<1000000x64xf32, #tpu.memory_space<hbm>>
    tpu.enqueue_indirect_dma source(%dma_start3A_704 : memref<1000000x64xf32, #tpu.memory_space<hbm>>) target(%arg8 : memref<80x64xf32, #tpu.memory_space<vmem>>) offsets(%dma_start3A_701 : memref<80xi32, #tpu.memory_space<vmem>>) semaphore(%arg12 : memref<!tpu.dma_semaphore, #tpu.memory_space<semaphore_mem>>)
    %scan3A_705 = arith.constant 0 : i32
    %scan3A_706 = arith.constant 0 : i32
    %scan3A_707 = arith.constant 64 : i32
    %scan3A_708 = arith.addi %scan3A_706, %scan3A_707 : i32
    %scan3A_709 = arith.constant 1 : i32
    scf.for %scan3A_717 = %scan3A_706 to %scan3A_708 step %scan3A_709  : i32 {
      %mul3A_718 = arith.constant 2 : i32
      %mul3A_719 = arith.muli %mul3A_718, %scan3A_717 : i32
      %add3A_720 = arith.constant 1 : i32
      %add3A_721 = arith.addi %mul3A_719, %add3A_720 : i32
      %mul3A_722 = arith.constant 80 : i32
      %mul3A_723 = arith.muli %add3A_721, %mul3A_722 : i32
      %dma_start3A_724 = tpu.memref_slice %arg6[%mul3A_723] : memref<10240xi32, #tpu.memory_space<vmem>> -> memref<80xi32, #tpu.memory_space<vmem>>
      %dma_start3A_725 = arith.constant 0 : i32
      %dma_start3A_726 = arith.constant 0 : i32
      %dma_start3A_727 = tpu.memref_slice %arg3[%dma_start3A_725, %dma_start3A_726] : memref<1000000x64xf32, #tpu.memory_space<hbm>> -> memref<1000000x64xf32, #tpu.memory_space<hbm>>
      tpu.enqueue_indirect_dma source(%dma_start3A_727 : memref<1000000x64xf32, #tpu.memory_space<hbm>>) target(%arg9 : memref<80x64xf32, #tpu.memory_space<vmem>>) offsets(%dma_start3A_724 : memref<80xi32, #tpu.memory_space<vmem>>) semaphore(%arg13 : memref<!tpu.dma_semaphore, #tpu.memory_space<semaphore_mem>>)
      %mul3A_728 = arith.constant 80 : i32
      %mul3A_729 = arith.muli %mul3A_719, %mul3A_728 : i32
      %dma_wait3A = tpu.memref_slice %arg6[%mul3A_729] : memref<10240xi32, #tpu.memory_space<vmem>> -> memref<80xi32, #tpu.memory_space<vmem>>
      %dma_wait3A_730 = arith.constant 0 : i32
      %dma_wait3A_731 = arith.constant 0 : i32
      %dma_wait3A_732 = tpu.memref_slice %arg3[%dma_wait3A_730, %dma_wait3A_731] : memref<1000000x64xf32, #tpu.memory_space<hbm>> -> memref<1000000x64xf32, #tpu.memory_space<hbm>>
      tpu.wait_indirect_dma semaphore(%arg12 : memref<!tpu.dma_semaphore, #tpu.memory_space<semaphore_mem>>) src(%dma_wait3A_732 : memref<1000000x64xf32, #tpu.memory_space<hbm>>) dst(%arg8 : memref<80x64xf32, #tpu.memory_space<vmem>>)
      "tpu.region"() ({
        %run_scoped3A = tpu.sem_alloc : memref<!tpu.dma_semaphore, #tpu.memory_space<semaphore_mem>>
        %dma_start3A_747 = arith.constant 0 : i32
        %dma_start3A_748 = arith.constant 0 : i32
        %dma_start3A_749 = tpu.memref_slice %arg11[%dma_start3A_747, %dma_start3A_748] : memref<20x64xf32, #tpu.memory_space<vmem_shared>> -> memref<20x64xf32, #tpu.memory_space<vmem_shared>>
        tpu.enqueue_indirect_dma source(%arg8 : memref<80x64xf32, #tpu.memory_space<vmem>>) target(%dma_start3A_749 : memref<20x64xf32, #tpu.memory_space<vmem_shared>>) offsets(%arg7 : memref<80xi32, #tpu.memory_space<vmem>>) semaphore(%run_scoped3A : memref<!tpu.dma_semaphore, #tpu.memory_space<semaphore_mem>>) {add = true}
        %dma_wait3A_750 = arith.constant 0 : i32
        %dma_wait3A_751 = arith.constant 0 : i32
        %dma_wait3A_752 = tpu.memref_slice %arg11[%dma_wait3A_750, %dma_wait3A_751] : memref<20x64xf32, #tpu.memory_space<vmem_shared>> -> memref<20x64xf32, #tpu.memory_space<vmem_shared>>
        tpu.wait_indirect_dma semaphore(%run_scoped3A : memref<!tpu.dma_semaphore, #tpu.memory_space<semaphore_mem>>) src(%arg8 : memref<80x64xf32, #tpu.memory_space<vmem>>) dst(%dma_wait3A_752 : memref<20x64xf32, #tpu.memory_space<vmem_shared>>)
        tpu.yield
      }) : () -> ()
      %add3A_733 = arith.constant 1 : i32
      %add3A_734 = arith.addi %scan3A_717, %add3A_733 : i32
      %lt3A = arith.constant 64 : i32
      %lt3A_735 = arith.cmpi slt, %add3A_734, %lt3A : i32
      %convert_element_type3A_736 = arith.extui %lt3A_735 : i1 to i32
      %cond3A_737 = arith.constant 0 : i32
      %cond3A_738 = arith.cmpi ne, %convert_element_type3A_736, %cond3A_737 : i32
      scf.if %cond3A_738 {
        %add3A_747 = arith.constant 2 : i32
        %add3A_748 = arith.addi %mul3A_719, %add3A_747 : i32
        %mul3A_749 = arith.constant 80 : i32
        %mul3A_750 = arith.muli %add3A_748, %mul3A_749 : i32
        %dma_start3A_751 = tpu.memref_slice %arg6[%mul3A_750] : memref<10240xi32, #tpu.memory_space<vmem>> -> memref<80xi32, #tpu.memory_space<vmem>>
        %dma_start3A_752 = arith.constant 0 : i32
        %dma_start3A_753 = arith.constant 0 : i32
        %dma_start3A_754 = tpu.memref_slice %arg3[%dma_start3A_752, %dma_start3A_753] : memref<1000000x64xf32, #tpu.memory_space<hbm>> -> memref<1000000x64xf32, #tpu.memory_space<hbm>>
        tpu.enqueue_indirect_dma source(%dma_start3A_754 : memref<1000000x64xf32, #tpu.memory_space<hbm>>) target(%arg8 : memref<80x64xf32, #tpu.memory_space<vmem>>) offsets(%dma_start3A_751 : memref<80xi32, #tpu.memory_space<vmem>>) semaphore(%arg12 : memref<!tpu.dma_semaphore, #tpu.memory_space<semaphore_mem>>)
      } else {
      }
      %add3A_739 = arith.constant 1 : i32
      %add3A_740 = arith.addi %mul3A_719, %add3A_739 : i32
      %mul3A_741 = arith.constant 80 : i32
      %mul3A_742 = arith.muli %add3A_740, %mul3A_741 : i32
      %dma_wait3A_743 = tpu.memref_slice %arg6[%mul3A_742] : memref<10240xi32, #tpu.memory_space<vmem>> -> memref<80xi32, #tpu.memory_space<vmem>>
      %dma_wait3A_744 = arith.constant 0 : i32
      %dma_wait3A_745 = arith.constant 0 : i32
      %dma_wait3A_746 = tpu.memref_slice %arg3[%dma_wait3A_744, %dma_wait3A_745] : memref<1000000x64xf32, #tpu.memory_space<hbm>> -> memref<1000000x64xf32, #tpu.memory_space<hbm>>
      tpu.wait_indirect_dma semaphore(%arg13 : memref<!tpu.dma_semaphore, #tpu.memory_space<semaphore_mem>>) src(%dma_wait3A_746 : memref<1000000x64xf32, #tpu.memory_space<hbm>>) dst(%arg9 : memref<80x64xf32, #tpu.memory_space<vmem>>)
      "tpu.region"() ({
        %run_scoped3A = tpu.sem_alloc : memref<!tpu.dma_semaphore, #tpu.memory_space<semaphore_mem>>
        %dma_start3A_747 = arith.constant 0 : i32
        %dma_start3A_748 = arith.constant 0 : i32
        %dma_start3A_749 = tpu.memref_slice %arg11[%dma_start3A_747, %dma_start3A_748] : memref<20x64xf32, #tpu.memory_space<vmem_shared>> -> memref<20x64xf32, #tpu.memory_space<vmem_shared>>
        tpu.enqueue_indirect_dma source(%arg9 : memref<80x64xf32, #tpu.memory_space<vmem>>) target(%dma_start3A_749 : memref<20x64xf32, #tpu.memory_space<vmem_shared>>) offsets(%arg7 : memref<80xi32, #tpu.memory_space<vmem>>) semaphore(%run_scoped3A : memref<!tpu.dma_semaphore, #tpu.memory_space<semaphore_mem>>) {add = true}
        %dma_wait3A_750 = arith.constant 0 : i32
        %dma_wait3A_751 = arith.constant 0 : i32
        %dma_wait3A_752 = tpu.memref_slice %arg11[%dma_wait3A_750, %dma_wait3A_751] : memref<20x64xf32, #tpu.memory_space<vmem_shared>> -> memref<20x64xf32, #tpu.memory_space<vmem_shared>>
        tpu.wait_indirect_dma semaphore(%run_scoped3A : memref<!tpu.dma_semaphore, #tpu.memory_space<semaphore_mem>>) src(%arg9 : memref<80x64xf32, #tpu.memory_space<vmem>>) dst(%dma_wait3A_752 : memref<20x64xf32, #tpu.memory_space<vmem_shared>>)
        tpu.yield
      }) : () -> ()
    }
    %scan3A_710 = arith.constant 64 : i32
    %barrier3A_711 = arith.constant 0 : index
    tpu.barrier barrier_id(%barrier3A_711)
    %eq3A_712 = arith.constant 0 : i32
    %eq3A_713 = arith.cmpi eq, %arg1, %eq3A_712 : i32
    %convert_element_type3A_714 = arith.extui %eq3A_713 : i1 to i32
    %cond3A_715 = arith.constant 0 : i32
    %cond3A_716 = arith.cmpi ne, %convert_element_type3A_714, %cond3A_715 : i32
    scf.if %cond3A_716 {
      "tpu.region"() ({
        %run_scoped3A = tpu.sem_alloc : memref<!tpu.dma_semaphore, #tpu.memory_space<semaphore_mem>>
        %dma_start3A_717 = arith.constant 0 : i32
        %dma_start3A_718 = arith.constant 0 : i32
        %dma_start3A_719 = tpu.memref_slice %arg4[%arg0, %dma_start3A_717, %dma_start3A_718] : memref<2x20x64xf32, #tpu.memory_space<hbm>> -> memref<1x20x64xf32, #tpu.memory_space<hbm>>
        %dma_start3A_720 = tpu.memref_squeeze %dma_start3A_719 : memref<1x20x64xf32, #tpu.memory_space<hbm>> -> memref<20x64xf32, #tpu.memory_space<hbm>>
        tpu.enqueue_dma source(%arg11 : memref<20x64xf32, #tpu.memory_space<vmem_shared>>) target(%dma_start3A_720 : memref<20x64xf32, #tpu.memory_space<hbm>>) target_semaphore(%run_scoped3A : memref<!tpu.dma_semaphore, #tpu.memory_space<semaphore_mem>>)
        %dma_wait3A = arith.constant 0 : i32
        %dma_wait3A_721 = arith.constant 0 : i32
        %dma_wait3A_722 = tpu.memref_slice %arg4[%arg0, %dma_wait3A, %dma_wait3A_721] : memref<2x20x64xf32, #tpu.memory_space<hbm>> -> memref<1x20x64xf32, #tpu.memory_space<hbm>>
        %dma_wait3A_723 = tpu.memref_squeeze %dma_wait3A_722 : memref<1x20x64xf32, #tpu.memory_space<hbm>> -> memref<20x64xf32, #tpu.memory_space<hbm>>
        tpu.wait_dma2 semaphore(%run_scoped3A : memref<!tpu.dma_semaphore, #tpu.memory_space<semaphore_mem>>) src(%arg11 : memref<20x64xf32, #tpu.memory_space<vmem_shared>>) dst(%dma_wait3A_723 : memref<20x64xf32, #tpu.memory_space<hbm>>)
        tpu.yield
      }) : () -> ()
    } else {
    }
    return
  }
}

module attributes {stable_mosaic.version = 14 : i64} {
  func.func @body(%arg0: i32, %arg1: memref<2x20x64xf32, #tpu.memory_space<vmem>>, %arg2: memref<1000000x64xf32, #tpu.memory_space<hbm>>, %arg3: memref<1x8192xf32, #tpu.memory_space<vmem>>, %arg4: memref<20x8192xf32, #tpu.memory_space<vmem>>, %arg5: memref<20x1xf32, #tpu.memory_space<vmem>>, %arg6: memref<20x64xf32, #tpu.memory_space<vmem>>, %arg7: memref<20x1xf32, #tpu.memory_space<vmem>>, %arg8: memref<20x1xf32, #tpu.memory_space<vmem>>, %arg9: memref<2x8192x64xf32, #tpu.memory_space<vmem>>, %arg10: memref<!tpu.dma_semaphore, #tpu.memory_space<semaphore_mem>>, %arg11: memref<!tpu.dma_semaphore, #tpu.memory_space<semaphore_mem>>) attributes {dimension_semantics = [#tpu.dimension_semantics<arbitrary>], iteration_bounds = array<i64: 123>, scalar_prefetch = 0 : i64, scratch_operands = 6 : i64, tpu.core_type = #tpu.core_type<tc>, window_params = [{pipeline_mode = #tpu.pipeline_mode<synchronous>, transform_indices = @transform_0, window_bounds = array<i64: 2, 20, 64>}, {}, {transform_indices = @transform_2, window_bounds = array<i64: 1, 8192>}, {transform_indices = @transform_3, window_bounds = array<i64: 20, 8192>}, {pipeline_mode = #tpu.pipeline_mode<synchronous>, transform_indices = @transform_4, window_bounds = array<i64: 20, 1>}]} {
    %eq3A = arith.constant 0 : i32
    %eq3A_0 = arith.cmpi eq, %arg0, %eq3A : i32
    %convert_element_type3A = arith.extui %eq3A_0 : i1 to i32
    %cond3A = arith.constant 0 : i32
    %cond3A_1 = arith.cmpi ne, %convert_element_type3A, %cond3A : i32
    scf.if %cond3A_1 {
      %get3A_79 = arith.constant 0 : index
      %get3A_80 = arith.constant 0 : index
      %get3A_81 = arith.constant 0 : index
      %get3A_82 = vector.load %arg1[%get3A_79, %get3A_80, %get3A_81] : memref<2x20x64xf32, #tpu.memory_space<vmem>>, vector<1x20x64xf32>
      %get3A_83 = vector.shape_cast %get3A_82 : vector<1x20x64xf32> to vector<20x64xf32>
      %get3A_84 = arith.constant 1 : index
      %get3A_85 = arith.constant 0 : index
      %get3A_86 = arith.constant 0 : index
      %get3A_87 = vector.load %arg1[%get3A_84, %get3A_85, %get3A_86] : memref<2x20x64xf32, #tpu.memory_space<vmem>>, vector<1x20x64xf32>
      %get3A_88 = vector.shape_cast %get3A_87 : vector<1x20x64xf32> to vector<20x64xf32>
      %add3A_89 = arith.addf %get3A_83, %get3A_88 : vector<20x64xf32>
      %mul3A_90 = arith.constant 6.10351563E-5 : f32
      %mul3A_91 = vector.broadcast %mul3A_90 : f32 to vector<20x64xf32>
      %mul3A_92 = arith.mulf %add3A_89, %mul3A_91 : vector<20x64xf32>
      %tanh3A = math.tanh %mul3A_92 : vector<20x64xf32>
      %swap3A_93 = arith.constant 0 : index
      %swap3A_94 = arith.constant 0 : index
      %swap3A_95 = vector.load %arg6[%swap3A_93, %swap3A_94] : memref<20x64xf32, #tpu.memory_space<vmem>>, vector<20x64xf32>
      tpu.vector_store %arg6[%swap3A_93, %swap3A_94], %tanh3A {strides = array<i32>} : memref<20x64xf32, #tpu.memory_space<vmem>>, vector<20x64xf32>,
    } else {
    }
    %eq3A_2 = arith.constant 0 : i32
    %eq3A_3 = arith.cmpi eq, %arg0, %eq3A_2 : i32
    %convert_element_type3A_4 = arith.extui %eq3A_3 : i1 to i32
    %cond3A_5 = arith.constant 0 : i32
    %cond3A_6 = arith.cmpi ne, %convert_element_type3A_4, %cond3A_5 : i32
    scf.if %cond3A_6 {
      %rem3A_79 = arith.constant 0 : i32
      %rem3A_80 = arith.constant 2 : i32
      %rem3A_81 = arith.remsi %rem3A_79, %rem3A_80 : i32
      %eq3A_82 = arith.constant 0 : i32
      %eq3A_83 = arith.cmpi eq, %rem3A_81, %eq3A_82 : i32
      %convert_element_type3A_84 = arith.extui %eq3A_83 : i1 to i32
      %cond3A_85 = arith.constant 0 : i32
      %cond3A_86 = arith.cmpi ne, %convert_element_type3A_84, %cond3A_85 : i32
      scf.if %cond3A_86 {
        %min3A_95 = arith.constant 0 : i32
        %min3A_96 = arith.constant 991808 : i32
        %min3A_97 = arith.minsi %min3A_95, %min3A_96 : i32
        %dma_start3A = arith.constant 0 : i32
        %dma_start3A_98 = arith.constant 0 : i32
        %dma_start3A_99 = arith.constant 0 : i32
        %dma_start3A_100 = tpu.memref_slice %arg9[%dma_start3A, %dma_start3A_98, %dma_start3A_99] : memref<2x8192x64xf32, #tpu.memory_space<vmem>> -> memref<1x8192x64xf32, #tpu.memory_space<vmem>>
        %dma_start3A_101 = tpu.memref_squeeze %dma_start3A_100 : memref<1x8192x64xf32, #tpu.memory_space<vmem>> -> memref<8192x64xf32, #tpu.memory_space<vmem>>
        %dma_start3A_102 = arith.constant 0 : i32
        %dma_start3A_103 = tpu.memref_slice %arg2[%min3A_97, %dma_start3A_102] : memref<1000000x64xf32, #tpu.memory_space<hbm>> -> memref<8192x64xf32, #tpu.memory_space<hbm>>
        tpu.enqueue_dma source(%dma_start3A_103 : memref<8192x64xf32, #tpu.memory_space<hbm>>) target(%dma_start3A_101 : memref<8192x64xf32, #tpu.memory_space<vmem>>) target_semaphore(%arg10 : memref<!tpu.dma_semaphore, #tpu.memory_space<semaphore_mem>>)
      } else {
      }
      %rem3A_87 = arith.constant 0 : i32
      %rem3A_88 = arith.constant 2 : i32
      %rem3A_89 = arith.remsi %rem3A_87, %rem3A_88 : i32
      %eq3A_90 = arith.constant 1 : i32
      %eq3A_91 = arith.cmpi eq, %rem3A_89, %eq3A_90 : i32
      %convert_element_type3A_92 = arith.extui %eq3A_91 : i1 to i32
      %cond3A_93 = arith.constant 0 : i32
      %cond3A_94 = arith.cmpi ne, %convert_element_type3A_92, %cond3A_93 : i32
      scf.if %cond3A_94 {
        %min3A_95 = arith.constant 0 : i32
        %min3A_96 = arith.constant 991808 : i32
        %min3A_97 = arith.minsi %min3A_95, %min3A_96 : i32
        %dma_start3A = arith.constant 1 : i32
        %dma_start3A_98 = arith.constant 0 : i32
        %dma_start3A_99 = arith.constant 0 : i32
        %dma_start3A_100 = tpu.memref_slice %arg9[%dma_start3A, %dma_start3A_98, %dma_start3A_99] : memref<2x8192x64xf32, #tpu.memory_space<vmem>> -> memref<1x8192x64xf32, #tpu.memory_space<vmem>>
        %dma_start3A_101 = tpu.memref_squeeze %dma_start3A_100 : memref<1x8192x64xf32, #tpu.memory_space<vmem>> -> memref<8192x64xf32, #tpu.memory_space<vmem>>
        %dma_start3A_102 = arith.constant 0 : i32
        %dma_start3A_103 = tpu.memref_slice %arg2[%min3A_97, %dma_start3A_102] : memref<1000000x64xf32, #tpu.memory_space<hbm>> -> memref<8192x64xf32, #tpu.memory_space<hbm>>
        tpu.enqueue_dma source(%dma_start3A_103 : memref<8192x64xf32, #tpu.memory_space<hbm>>) target(%dma_start3A_101 : memref<8192x64xf32, #tpu.memory_space<vmem>>) target_semaphore(%arg11 : memref<!tpu.dma_semaphore, #tpu.memory_space<semaphore_mem>>)
      } else {
      }
    } else {
    }
    %add3A = arith.constant 1 : i32
    %add3A_7 = arith.addi %arg0, %add3A : i32
    %lt3A = arith.constant 123 : i32
    %lt3A_8 = arith.cmpi slt, %add3A_7, %lt3A : i32
    %convert_element_type3A_9 = arith.extui %lt3A_8 : i1 to i32
    %cond3A_10 = arith.constant 0 : i32
    %cond3A_11 = arith.cmpi ne, %convert_element_type3A_9, %cond3A_10 : i32
    scf.if %cond3A_11 {
      %add3A_79 = arith.constant 1 : i32
      %add3A_80 = arith.addi %arg0, %add3A_79 : i32
      %rem3A_81 = arith.constant 2 : i32
      %rem3A_82 = arith.remsi %add3A_80, %rem3A_81 : i32
      %eq3A_83 = arith.constant 0 : i32
      %eq3A_84 = arith.cmpi eq, %rem3A_82, %eq3A_83 : i32
      %convert_element_type3A_85 = arith.extui %eq3A_84 : i1 to i32
      %cond3A_86 = arith.constant 0 : i32
      %cond3A_87 = arith.cmpi ne, %convert_element_type3A_85, %cond3A_86 : i32
      scf.if %cond3A_87 {
        %mul3A_95 = arith.constant 8192 : i32
        %mul3A_96 = arith.muli %add3A_80, %mul3A_95 : i32
        %min3A_97 = arith.constant 991808 : i32
        %min3A_98 = arith.minsi %mul3A_96, %min3A_97 : i32
        %dma_start3A = arith.constant 0 : i32
        %dma_start3A_99 = arith.constant 0 : i32
        %dma_start3A_100 = arith.constant 0 : i32
        %dma_start3A_101 = tpu.memref_slice %arg9[%dma_start3A, %dma_start3A_99, %dma_start3A_100] : memref<2x8192x64xf32, #tpu.memory_space<vmem>> -> memref<1x8192x64xf32, #tpu.memory_space<vmem>>
        %dma_start3A_102 = tpu.memref_squeeze %dma_start3A_101 : memref<1x8192x64xf32, #tpu.memory_space<vmem>> -> memref<8192x64xf32, #tpu.memory_space<vmem>>
        %dma_start3A_103 = arith.constant 0 : i32
        %dma_start3A_104 = tpu.memref_slice %arg2[%min3A_98, %dma_start3A_103] : memref<1000000x64xf32, #tpu.memory_space<hbm>> -> memref<8192x64xf32, #tpu.memory_space<hbm>>
        tpu.enqueue_dma source(%dma_start3A_104 : memref<8192x64xf32, #tpu.memory_space<hbm>>) target(%dma_start3A_102 : memref<8192x64xf32, #tpu.memory_space<vmem>>) target_semaphore(%arg10 : memref<!tpu.dma_semaphore, #tpu.memory_space<semaphore_mem>>)
      } else {
      }
      %rem3A_88 = arith.constant 2 : i32
      %rem3A_89 = arith.remsi %add3A_80, %rem3A_88 : i32
      %eq3A_90 = arith.constant 1 : i32
      %eq3A_91 = arith.cmpi eq, %rem3A_89, %eq3A_90 : i32
      %convert_element_type3A_92 = arith.extui %eq3A_91 : i1 to i32
      %cond3A_93 = arith.constant 0 : i32
      %cond3A_94 = arith.cmpi ne, %convert_element_type3A_92, %cond3A_93 : i32
      scf.if %cond3A_94 {
        %mul3A_95 = arith.constant 8192 : i32
        %mul3A_96 = arith.muli %add3A_80, %mul3A_95 : i32
        %min3A_97 = arith.constant 991808 : i32
        %min3A_98 = arith.minsi %mul3A_96, %min3A_97 : i32
        %dma_start3A = arith.constant 1 : i32
        %dma_start3A_99 = arith.constant 0 : i32
        %dma_start3A_100 = arith.constant 0 : i32
        %dma_start3A_101 = tpu.memref_slice %arg9[%dma_start3A, %dma_start3A_99, %dma_start3A_100] : memref<2x8192x64xf32, #tpu.memory_space<vmem>> -> memref<1x8192x64xf32, #tpu.memory_space<vmem>>
        %dma_start3A_102 = tpu.memref_squeeze %dma_start3A_101 : memref<1x8192x64xf32, #tpu.memory_space<vmem>> -> memref<8192x64xf32, #tpu.memory_space<vmem>>
        %dma_start3A_103 = arith.constant 0 : i32
        %dma_start3A_104 = tpu.memref_slice %arg2[%min3A_98, %dma_start3A_103] : memref<1000000x64xf32, #tpu.memory_space<hbm>> -> memref<8192x64xf32, #tpu.memory_space<hbm>>
        tpu.enqueue_dma source(%dma_start3A_104 : memref<8192x64xf32, #tpu.memory_space<hbm>>) target(%dma_start3A_102 : memref<8192x64xf32, #tpu.memory_space<vmem>>) target_semaphore(%arg11 : memref<!tpu.dma_semaphore, #tpu.memory_space<semaphore_mem>>)
      } else {
      }
    } else {
    }
    %rem3A = arith.constant 2 : i32
    %rem3A_12 = arith.remsi %arg0, %rem3A : i32
    %eq3A_13 = arith.constant 0 : i32
    %eq3A_14 = arith.cmpi eq, %rem3A_12, %eq3A_13 : i32
    %convert_element_type3A_15 = arith.extui %eq3A_14 : i1 to i32
    %cond3A_16 = arith.constant 0 : i32
    %cond3A_17 = arith.cmpi ne, %convert_element_type3A_15, %cond3A_16 : i32
    scf.if %cond3A_17 {
      %mul3A_79 = arith.constant 8192 : i32
      %mul3A_80 = arith.muli %arg0, %mul3A_79 : i32
      %min3A_81 = arith.constant 991808 : i32
      %min3A_82 = arith.minsi %mul3A_80, %min3A_81 : i32
      %dma_wait3A = arith.constant 0 : i32
      %dma_wait3A_83 = arith.constant 0 : i32
      %dma_wait3A_84 = arith.constant 0 : i32
      %dma_wait3A_85 = tpu.memref_slice %arg9[%dma_wait3A, %dma_wait3A_83, %dma_wait3A_84] : memref<2x8192x64xf32, #tpu.memory_space<vmem>> -> memref<1x8192x64xf32, #tpu.memory_space<vmem>>
      %dma_wait3A_86 = tpu.memref_squeeze %dma_wait3A_85 : memref<1x8192x64xf32, #tpu.memory_space<vmem>> -> memref<8192x64xf32, #tpu.memory_space<vmem>>
      %dma_wait3A_87 = arith.constant 0 : i32
      %dma_wait3A_88 = tpu.memref_slice %arg2[%min3A_82, %dma_wait3A_87] : memref<1000000x64xf32, #tpu.memory_space<hbm>> -> memref<8192x64xf32, #tpu.memory_space<hbm>>
      tpu.wait_dma2 semaphore(%arg10 : memref<!tpu.dma_semaphore, #tpu.memory_space<semaphore_mem>>) src(%dma_wait3A_88 : memref<8192x64xf32, #tpu.memory_space<hbm>>) dst(%dma_wait3A_86 : memref<8192x64xf32, #tpu.memory_space<vmem>>)
    } else {
    }
    %rem3A_18 = arith.constant 2 : i32
    %rem3A_19 = arith.remsi %arg0, %rem3A_18 : i32
    %eq3A_20 = arith.constant 1 : i32
    %eq3A_21 = arith.cmpi eq, %rem3A_19, %eq3A_20 : i32
    %convert_element_type3A_22 = arith.extui %eq3A_21 : i1 to i32
    %cond3A_23 = arith.constant 0 : i32
    %cond3A_24 = arith.cmpi ne, %convert_element_type3A_22, %cond3A_23 : i32
    scf.if %cond3A_24 {
      %mul3A_79 = arith.constant 8192 : i32
      %mul3A_80 = arith.muli %arg0, %mul3A_79 : i32
      %min3A_81 = arith.constant 991808 : i32
      %min3A_82 = arith.minsi %mul3A_80, %min3A_81 : i32
      %dma_wait3A = arith.constant 1 : i32
      %dma_wait3A_83 = arith.constant 0 : i32
      %dma_wait3A_84 = arith.constant 0 : i32
      %dma_wait3A_85 = tpu.memref_slice %arg9[%dma_wait3A, %dma_wait3A_83, %dma_wait3A_84] : memref<2x8192x64xf32, #tpu.memory_space<vmem>> -> memref<1x8192x64xf32, #tpu.memory_space<vmem>>
      %dma_wait3A_86 = tpu.memref_squeeze %dma_wait3A_85 : memref<1x8192x64xf32, #tpu.memory_space<vmem>> -> memref<8192x64xf32, #tpu.memory_space<vmem>>
      %dma_wait3A_87 = arith.constant 0 : i32
      %dma_wait3A_88 = tpu.memref_slice %arg2[%min3A_82, %dma_wait3A_87] : memref<1000000x64xf32, #tpu.memory_space<hbm>> -> memref<8192x64xf32, #tpu.memory_space<hbm>>
      tpu.wait_dma2 semaphore(%arg11 : memref<!tpu.dma_semaphore, #tpu.memory_space<semaphore_mem>>) src(%dma_wait3A_88 : memref<8192x64xf32, #tpu.memory_space<hbm>>) dst(%dma_wait3A_86 : memref<8192x64xf32, #tpu.memory_space<vmem>>)
    } else {
    }
    %rem3A_25 = arith.constant 2 : i32
    %rem3A_26 = arith.remsi %arg0, %rem3A_25 : i32
    %eq3A_27 = arith.constant 0 : i32
    %eq3A_28 = arith.cmpi eq, %rem3A_26, %eq3A_27 : i32
    %get3A = arith.constant 0 : index
    %get3A_29 = arith.constant 0 : index
    %get3A_30 = arith.constant 0 : index
    %get3A_31 = vector.load %arg9[%get3A, %get3A_29, %get3A_30] : memref<2x8192x64xf32, #tpu.memory_space<vmem>>, vector<1x8192x64xf32>
    %get3A_32 = vector.shape_cast %get3A_31 : vector<1x8192x64xf32> to vector<8192x64xf32>
    %get3A_33 = arith.constant 1 : index
    %get3A_34 = arith.constant 0 : index
    %get3A_35 = arith.constant 0 : index
    %get3A_36 = vector.load %arg9[%get3A_33, %get3A_34, %get3A_35] : memref<2x8192x64xf32, #tpu.memory_space<vmem>>, vector<1x8192x64xf32>
    %get3A_37 = vector.shape_cast %get3A_36 : vector<1x8192x64xf32> to vector<8192x64xf32>
    %select_n3A = arith.select %eq3A_28, %get3A_32, %get3A_37 : vector<8192x64xf32>
    %mul3A = arith.constant 8192 : i32
    %mul3A_38 = arith.muli %arg0, %mul3A : i32
    %mul3A_39 = arith.constant 8192 : i32
    %mul3A_40 = arith.muli %arg0, %mul3A_39 : i32
    %min3A = arith.constant 991808 : i32
    %min3A_41 = arith.minsi %mul3A_40, %min3A : i32
    %sub3A = arith.subi %mul3A_38, %min3A_41 : i32
    %get3A_42 = arith.constant 0 : index
    %get3A_43 = arith.constant 0 : index
    %get3A_44 = vector.load %arg6[%get3A_42, %get3A_43] : memref<20x64xf32, #tpu.memory_space<vmem>>, vector<20x64xf32>
    %dot_general3A = arith.constant dense<0.000000e+00> : vector<20x8192xf32>
    %dot_general3A_45 = tpu.matmul %get3A_44, %select_n3A, %dot_general3A {dimension_numbers = #tpu.dot_dimension_numbers<[1], [1], [0], [0], [0, 0, 1, 0], [], []>, transpose_lhs_hint = false} : vector<20x64xf32>, vector<8192x64xf32>, vector<20x8192xf32> -> vector<20x8192xf32>
    %get3A_46 = arith.constant 0 : index
    %get3A_47 = arith.constant 0 : index
    %get3A_48 = vector.load %arg3[%get3A_46, %get3A_47] : memref<1x8192xf32, #tpu.memory_space<vmem>>, vector<1x8192xf32>
    %roll3A = tpu.dynamic_rotate %get3A_48 by %sub3A dim 1 : vector<1x8192xf32>, i32 -> vector<1x8192xf32>
    %add3A_49 = vector.broadcast %roll3A : vector<1x8192xf32> to vector<20x8192xf32>
    %add3A_50 = arith.addf %dot_general3A_45, %add3A_49 : vector<20x8192xf32>
    %iota3A = tpu.iota {dimensions = array<i32: 1>} : vector<20x8192xi32>
    %ge3A = vector.broadcast %sub3A : i32 to vector<20x8192xi32>
    %ge3A_51 = arith.cmpi sge, %iota3A, %ge3A : vector<20x8192xi32>
    %jit3A = arith.constant 0xFF800000 : f32
    %broadcast_in_dim3A = vector.broadcast %jit3A : f32 to vector<20x8192xf32>
    %select_n3A_52 = arith.select %ge3A_51, %add3A_50, %broadcast_in_dim3A : vector<20x8192xi1>, vector<20x8192xf32>
    %sub3A_53 = arith.constant 8192 : i32
    %sub3A_54 = arith.subi %sub3A_53, %sub3A : i32
    %roll3A_55 = tpu.dynamic_rotate %select_n3A_52 by %sub3A_54 dim 1 : vector<20x8192xf32>, i32 -> vector<20x8192xf32>
    %swap3A = arith.constant 0 : index
    %swap3A_56 = arith.constant 0 : index
    %swap3A_57 = vector.load %arg4[%swap3A, %swap3A_56] : memref<20x8192xf32, #tpu.memory_space<vmem>>, vector<20x8192xf32>
    tpu.vector_store %arg4[%swap3A, %swap3A_56], %roll3A_55 {strides = array<i32>} : memref<20x8192xf32, #tpu.memory_space<vmem>>, vector<20x8192xf32>,
    %reduce_max3A = arith.constant dense<0xFF800000> : vector<20xf32>
    %reduce_max3A_58 = vector.multi_reduction <maximumf>, %select_n3A_52, %reduce_max3A [1] : vector<20x8192xf32> to vector<20xf32>
    %broadcast_in_dim3A_59 = vector.shape_cast %reduce_max3A_58 : vector<20xf32> to vector<20x1xf32>
    %eq3A_60 = arith.constant 0 : i32
    %eq3A_61 = arith.cmpi eq, %arg0, %eq3A_60 : i32
    %convert_element_type3A_62 = arith.extui %eq3A_61 : i1 to i32
    %cond3A_63 = arith.constant 0 : i32
    %cond3A_64 = arith.cmpi ne, %convert_element_type3A_62, %cond3A_63 : i32
    scf.if %cond3A_64 {
      %swap3A_79 = arith.constant 0 : index
      %swap3A_80 = arith.constant 0 : index
      %swap3A_81 = vector.load %arg7[%swap3A_79, %swap3A_80] : memref<20x1xf32, #tpu.memory_space<vmem>>, vector<20x1xf32>
      tpu.vector_store %arg7[%swap3A_79, %swap3A_80], %broadcast_in_dim3A_59 {strides = array<i32>} : memref<20x1xf32, #tpu.memory_space<vmem>>, vector<20x1xf32>,
      %sub3A_82 = vector.broadcast %broadcast_in_dim3A_59 : vector<20x1xf32> to vector<20x8192xf32>
      %sub3A_83 = arith.subf %select_n3A_52, %sub3A_82 : vector<20x8192xf32>
      %exp3A = math.exp %sub3A_83 : vector<20x8192xf32>
      %reduce_sum3A = arith.constant dense<0.000000e+00> : vector<20xf32>
      %reduce_sum3A_84 = vector.multi_reduction <add>, %exp3A, %reduce_sum3A [1] : vector<20x8192xf32> to vector<20xf32>
      %broadcast_in_dim3A_85 = vector.shape_cast %reduce_sum3A_84 : vector<20xf32> to vector<20x1xf32>
      %swap3A_86 = arith.constant 0 : index
      %swap3A_87 = arith.constant 0 : index
      %swap3A_88 = vector.load %arg8[%swap3A_86, %swap3A_87] : memref<20x1xf32, #tpu.memory_space<vmem>>, vector<20x1xf32>
      tpu.vector_store %arg8[%swap3A_86, %swap3A_87], %broadcast_in_dim3A_85 {strides = array<i32>} : memref<20x1xf32, #tpu.memory_space<vmem>>, vector<20x1xf32>,
    } else {
    }
    %gt3A = arith.constant 0 : i32
    %gt3A_65 = arith.cmpi sgt, %arg0, %gt3A : i32
    %convert_element_type3A_66 = arith.extui %gt3A_65 : i1 to i32
    %cond3A_67 = arith.constant 0 : i32
    %cond3A_68 = arith.cmpi ne, %convert_element_type3A_66, %cond3A_67 : i32
    scf.if %cond3A_68 {
      %get3A_79 = arith.constant 0 : index
      %get3A_80 = arith.constant 0 : index
      %get3A_81 = vector.load %arg7[%get3A_79, %get3A_80] : memref<20x1xf32, #tpu.memory_space<vmem>>, vector<20x1xf32>
      %max3A = arith.maximumf %get3A_81, %broadcast_in_dim3A_59 : vector<20x1xf32>
      %get3A_82 = arith.constant 0 : index
      %get3A_83 = arith.constant 0 : index
      %get3A_84 = vector.load %arg8[%get3A_82, %get3A_83] : memref<20x1xf32, #tpu.memory_space<vmem>>, vector<20x1xf32>
      %sub3A_85 = arith.subf %get3A_81, %max3A : vector<20x1xf32>
      %exp3A = math.exp %sub3A_85 : vector<20x1xf32>
      %mul3A_86 = arith.mulf %get3A_84, %exp3A : vector<20x1xf32>
      %sub3A_87 = vector.broadcast %max3A : vector<20x1xf32> to vector<20x8192xf32>
      %sub3A_88 = arith.subf %select_n3A_52, %sub3A_87 : vector<20x8192xf32>
      %exp3A_89 = math.exp %sub3A_88 : vector<20x8192xf32>
      %reduce_sum3A = arith.constant dense<0.000000e+00> : vector<20xf32>
      %reduce_sum3A_90 = vector.multi_reduction <add>, %exp3A_89, %reduce_sum3A [1] : vector<20x8192xf32> to vector<20xf32>
      %broadcast_in_dim3A_91 = vector.shape_cast %reduce_sum3A_90 : vector<20xf32> to vector<20x1xf32>
      %add3A_92 = arith.addf %mul3A_86, %broadcast_in_dim3A_91 : vector<20x1xf32>
      %swap3A_93 = arith.constant 0 : index
      %swap3A_94 = arith.constant 0 : index
      %swap3A_95 = vector.load %arg8[%swap3A_93, %swap3A_94] : memref<20x1xf32, #tpu.memory_space<vmem>>, vector<20x1xf32>
      tpu.vector_store %arg8[%swap3A_93, %swap3A_94], %add3A_92 {strides = array<i32>} : memref<20x1xf32, #tpu.memory_space<vmem>>, vector<20x1xf32>,
      %swap3A_96 = arith.constant 0 : index
      %swap3A_97 = arith.constant 0 : index
      %swap3A_98 = vector.load %arg7[%swap3A_96, %swap3A_97] : memref<20x1xf32, #tpu.memory_space<vmem>>, vector<20x1xf32>
      tpu.vector_store %arg7[%swap3A_96, %swap3A_97], %max3A {strides = array<i32>} : memref<20x1xf32, #tpu.memory_space<vmem>>, vector<20x1xf32>,
    } else {
    }
    %get3A_69 = arith.constant 0 : index
    %get3A_70 = arith.constant 0 : index
    %get3A_71 = vector.load %arg7[%get3A_69, %get3A_70] : memref<20x1xf32, #tpu.memory_space<vmem>>, vector<20x1xf32>
    %get3A_72 = arith.constant 0 : index
    %get3A_73 = arith.constant 0 : index
    %get3A_74 = vector.load %arg8[%get3A_72, %get3A_73] : memref<20x1xf32, #tpu.memory_space<vmem>>, vector<20x1xf32>
    %log3A = math.log %get3A_74 : vector<20x1xf32>
    %add3A_75 = arith.addf %get3A_71, %log3A : vector<20x1xf32>
    %swap3A_76 = arith.constant 0 : index
    %swap3A_77 = arith.constant 0 : index
    %swap3A_78 = vector.load %arg5[%swap3A_76, %swap3A_77] : memref<20x1xf32, #tpu.memory_space<vmem>>, vector<20x1xf32>
    tpu.vector_store %arg5[%swap3A_76, %swap3A_77], %add3A_75 {strides = array<i32>} : memref<20x1xf32, #tpu.memory_space<vmem>>, vector<20x1xf32>,
    return
  }
  func.func @transform_0(%arg0: i32) -> (i32, i32, i32) {
    %c0_i32 = arith.constant 0 : i32
    %c0_i32_0 = arith.constant 0 : i32
    %c0_i32_1 = arith.constant 0 : i32
    %c0_i32_2 = arith.constant 0 : i32
    return %c0_i32, %c0_i32_0, %c0_i32_1 : i32, i32, i32
  }
  func.func @transform_2(%arg0: i32) -> (i32, i32) {
    %c0_i32 = arith.constant 0 : i32
    %c0_i32_0 = arith.constant 0 : i32
    return %c0_i32, %arg0 : i32, i32
  }
  func.func @transform_3(%arg0: i32) -> (i32, i32) {
    %c0_i32 = arith.constant 0 : i32
    %c0_i32_0 = arith.constant 0 : i32
    return %c0_i32, %arg0 : i32, i32
  }
  func.func @transform_4(%arg0: i32) -> (i32, i32) {
    %c0_i32 = arith.constant 0 : i32
    %c0_i32_0 = arith.constant 0 : i32
    %c0_i32_1 = arith.constant 0 : i32
    return %c0_i32, %c0_i32_0 : i32, i32
  }
}

module attributes {stable_mosaic.version = 14 : i64} {
  func.func @body(%arg0: i32, %arg1: memref<20x8192xf32, #tpu.memory_space<vmem>>, %arg2: memref<20x1xf32, #tpu.memory_space<vmem>>, %arg3: memref<20x8192xf32, #tpu.memory_space<vmem>>) attributes {dimension_semantics = [#tpu.dimension_semantics<arbitrary>], iteration_bounds = array<i64: 123>, scalar_prefetch = 0 : i64, scratch_operands = 0 : i64, tpu.core_type = #tpu.core_type<tc>, window_params = [{transform_indices = @transform_0, window_bounds = array<i64: 20, 8192>}, {pipeline_mode = #tpu.pipeline_mode<synchronous>, transform_indices = @transform_1, window_bounds = array<i64: 20, 1>}, {transform_indices = @transform_2, window_bounds = array<i64: 20, 8192>}]} {
    %get3A = arith.constant 0 : index
    %get3A_0 = arith.constant 0 : index
    %get3A_1 = vector.load %arg1[%get3A, %get3A_0] : memref<20x8192xf32, #tpu.memory_space<vmem>>, vector<20x8192xf32>
    %get3A_2 = arith.constant 0 : index
    %get3A_3 = arith.constant 0 : index
    %get3A_4 = vector.load %arg2[%get3A_2, %get3A_3] : memref<20x1xf32, #tpu.memory_space<vmem>>, vector<20x1xf32>
    %sub3A = vector.broadcast %get3A_4 : vector<20x1xf32> to vector<20x8192xf32>
    %sub3A_5 = arith.subf %get3A_1, %sub3A : vector<20x8192xf32>
    %swap3A = arith.constant 0 : index
    %swap3A_6 = arith.constant 0 : index
    %swap3A_7 = vector.load %arg3[%swap3A, %swap3A_6] : memref<20x8192xf32, #tpu.memory_space<vmem>>, vector<20x8192xf32>
    tpu.vector_store %arg3[%swap3A, %swap3A_6], %sub3A_5 {strides = array<i32>} : memref<20x8192xf32, #tpu.memory_space<vmem>>, vector<20x8192xf32>,
    return
  }
  func.func @transform_0(%arg0: i32) -> (i32, i32) {
    %c0_i32 = arith.constant 0 : i32
    %c0_i32_0 = arith.constant 0 : i32
    return %c0_i32, %arg0 : i32, i32
  }
  func.func @transform_1(%arg0: i32) -> (i32, i32) {
    %c0_i32 = arith.constant 0 : i32
    %c0_i32_0 = arith.constant 0 : i32
    %c0_i32_1 = arith.constant 0 : i32
    return %c0_i32, %c0_i32_0 : i32, i32
  }
  func.func @transform_2(%arg0: i32) -> (i32, i32) {
    %c0_i32 = arith.constant 0 : i32
    %c0_i32_0 = arith.constant 0 : i32
    return %c0_i32, %arg0 : i32, i32
  }
}

</mosaic_0001>

<sc_bundles>
// kernel: kernel.5.cloned.1.call-start
scs
__scs_entry_jumppad:
0x0: {  	(pc) =	sbr.rel $0x88, $3  }
0x1: {  	(tag) =	ssettag $0x0;
	lr =	simm.s32 $0x1  }
0x2: {  	[smem:$0x3F9D] =	sst lr;
	_ =	strace $0xD0000000  }
0x3: {  	_ = 	snop  }
0x4: {  	_ = 	snop  }
0x5: {  	_ = 	snop  }
0x6: {  	_ = 	snop  }
0x7: {  	_ = 	snop  }
__scs_overlays_trampoline_lowered:
0x8: {  	[smem:$0x3FAC] =	sst s0  }
0x9: {  	[smem:$0x3FAD] =	sst s1  }
0xa: {  	[smem:$0x3FAE] =	sst s2  }
0xb: {  	[smem:$0x3FAF] =	sst s3  }
0xc: {  	[smem:$0x3FB0] =	sst s4  }
0xd: {  	[smem:$0x3FB1] =	sst s5  }
0xe: {  	[smem:$0x3FB2] =	sst s6  }
0xf: {  	[smem:$0x3FB3] =	sst s7  }
0x10: {  	[smem:$0x3FB4] =	sst s8  }
0x11: {  	[smem:$0x3FB5] =	sst s9;
	s0 =	simm.s32 @!p0 $0x0  }
0x12: {  	s1 =	sld [smem:$0x3F9B];
	s0 =	simm.s32 @p0 $0x1  }
0x13: {  	[smem:$0x3FB6] =	sst s0;
	s0 =	simm.s32 @!p1 $0x0  }
0x14: {  	s2 =	sld [smem:$0x3F9A];
	s0 =	simm.s32 @p1 $0x1  }
0x15: {  	[smem:$0x3FB7] =	sst s0;
	s0 =	simm.s32 @!p2 $0x0  }
0x16: {  	s3 =	sld [smem:$0x3FDB];
	s0 =	simm.s32 @p2 $0x1  }
0x17: {  	s4 =	simm.s32 $0x1BF5;
	[smem:$0x3FB9] =	sst s0  }
0x18: {  	s0 =	sld [smem:$0x3F9C];
	_ =	swait.ge [sflag:s4], $0x0  }
0x19: {  	s7 =	sld [smem:$0x3F9D]  }
0x1a: {  	s8 =	sadd.s32 $0xFFFFE003, lr  }
0x1b: {  	s9 =	sadd.s32 $0xFFFFFEF7, lr;
	s5 =	simm.s32 $0xFFFFFFFF;
	p2 =	slt.u32 s8, $0xFFFFF086  }
0x1c: {  	p1 =	slt.u32 s9, $0xF7A;
	s5 =	simm.s32 @!p2 $0x0  }
0x1d: {  	s5 =	simm.s32 @p1 $0x1;
	p0 =	seq.s32 s7, s2  }
0x1e: {  	s7 =	smul.u32 @!p0 $0xF7A, s2;
	p2 =	seq.s32 @!p0 s5, $0x0  }
0x1f: {  	s9 =	smul.u32 $0xF7A, s1;
	s8 =	simm.s32 @!p0 $0x1BF5;
	p2 =	por !p2, p0  }
0x20: {  	[sflag:s8] =	ssyncset.s32 @!p0 $0xFFFFF086;
	s6 =	sadd.s32 @!p0 s3, s7;
	s7 =	simm.s32 @!p0 $0x108  }
0x21: {  	s3 =	sadd.s32 s3, s9;
	s6 =	sadd.s32 @!p0 $0x88, s6;
	s7 =	simm.s32 @p2 $0x1082  }
0x22: {  	[simem:s7], [sflag:s8] =	dma.local @!p0 [hbm:s6], $0xF7A  }
0x23: {  	s9 =	sor.u32 $0xD0000000, s2;
	s6 =	simm.s32 $0x108;
	_ =	swait.ge @!p0 [sflag:s8], $0x0  }
0x24: {  	s3 =	sadd.s32 $0x88, s3;
	s6 =	simm.s32 @!p1 $0x1082;
	[sflag:s4] =	ssyncset.s32 $0xFFFFF086  }
0x25: {  	[simem:s6], [sflag:s4] =	dma.local [hbm:s3], $0xF7A  }
0x26: {  	[smem:$0x3F9D] =	sst s1;
	(tag) =	ssettag s2;
	_ =	strace s9  }
0x27: {  	s1 =	sld [smem:$0x3FAD]  }
0x28: {  	s2 =	sld [smem:$0x3FAE]  }
0x29: {  	s4 =	sld [smem:$0x3FB0]  }
0x2a: {  	p0 =	seq.s32 s5, $0x0;
	s5 =	sld [smem:$0x3FB1]  }
0x2b: {  	s6 =	sld [smem:$0x3FB2]  }
0x2c: {  	s7 =	sld [smem:$0x3FB3]  }
0x2d: {  	s3 =	simm.s32 $0x108;
	s8 =	sld [smem:$0x3FB4]  }
0x2e: {  	s3 =	simm.s32 @!p0 $0x1082;
	s9 =	sld [smem:$0x3FB5]  }
0x2f: {  	lr =	sadd.s32 s0, s3;
	s0 =	sld [smem:$0x3FAC]  }
0x30: {  	s3 =	sld [smem:$0x3FAF]  }
0x31: {  	[smem:$0x3FB8] =	sst s10  }
0x32: {  	s10 =	sld [smem:$0x3FB6];
	_ =	sdelay $0x3  }
0x33: {  	p0 =	seq.s32 s10, $0x1;
	s10 =	sld [smem:$0x3FB8];
	_ =	sdelay $0x3  }
0x34: {  	[smem:$0x3FB8] =	sst s10  }
0x35: {  	s10 =	sld [smem:$0x3FB7];
	_ =	sdelay $0x3  }
0x36: {  	p1 =	seq.s32 s10, $0x1;
	s10 =	sld [smem:$0x3FB8];
	_ =	sdelay $0x3  }
0x37: {  	[smem:$0x3FB8] =	sst s10  }
0x38: {  	s10 =	sld [smem:$0x3FB9]  }
0x39: {  	_ = 	snop;
	(pc) =	sbr.ind lr, $3  }
0x3a: {  	_ = 	snop  }
0x3b: {  	_ = 	snop  }
0x3c: {  	p2 =	seq.s32 s10, $0x1;
	s10 =	sld [smem:$0x3FB8]  }
0x3d: {  	_ =	shalt  }
0x3e: {  	_ =	shalt  }
0x3f: {  	_ =	shalt  }
0x40: {  	_ =	shalt  }
0x41: {  	_ =	shalt  }
0x42: {  	_ =	shalt  }
0x43: {  	_ =	shalt  }
0x44: {  	_ =	shalt  }
0x45: {  	_ =	shalt  }
0x46: {  	_ =	shalt  }
0x47: {  	_ =	shalt  }
0x48: {  	_ =	shalt  }
0x49: {  	_ =	shalt  }
0x4a: {  	_ =	shalt  }
0x4b: {  	_ =	shalt  }
0x4c: {  	_ =	shalt  }
0x4d: {  	_ =	shalt  }
0x4e: {  	_ =	shalt  }
0x4f: {  	_ =	shalt  }
0x50: {  	_ =	shalt  }
0x51: {  	_ =	shalt  }
0x52: {  	_ =	shalt  }
0x53: {  	_ =	shalt  }
0x54: {  	_ =	shalt  }
0x55: {  	_ =	shalt  }
0x56: {  	_ =	shalt  }
0x57: {  	_ =	shalt  }
0x58: {  	_ =	shalt  }
0x59: {  	_ =	shalt  }
0x5a: {  	_ =	shalt  }
0x5b: {  	_ =	shalt  }
0x5c: {  	_ =	shalt  }
0x5d: {  	_ =	shalt  }
0x5e: {  	_ =	shalt  }
0x5f: {  	_ =	shalt  }
0x60: {  	_ =	shalt  }
0x61: {  	_ =	shalt  }
0x62: {  	_ =	shalt  }
0x63: {  	_ =	shalt  }
0x64: {  	_ =	shalt  }
0x65: {  	_ =	shalt  }
0x66: {  	_ =	shalt  }
0x67: {  	_ =	shalt  }
0x68: {  	_ =	shalt  }
0x69: {  	_ =	shalt  }
0x6a: {  	_ =	shalt  }
0x6b: {  	_ =	shalt  }
0x6c: {  	_ =	shalt  }
0x6d: {  	_ =	shalt  }
0x6e: {  	_ =	shalt  }
0x6f: {  	_ =	shalt  }
0x70: {  	_ =	shalt  }
0x71: {  	_ =	shalt  }
0x72: {  	_ =	shalt  }
0x73: {  	_ =	shalt  }
0x74: {  	_ =	shalt  }
0x75: {  	_ =	shalt  }
0x76: {  	_ =	shalt  }
0x77: {  	_ =	shalt  }
0x78: {  	_ =	shalt  }
0x79: {  	_ =	shalt  }
0x7a: {  	_ =	shalt  }
0x7b: {  	_ =	shalt  }
0x7c: {  	_ =	shalt  }
0x7d: {  	_ =	shalt  }
0x7e: {  	_ =	shalt  }
0x7f: {  	_ =	shalt  }
0x80: {  	_ =	shalt  }
0x81: {  	_ =	shalt  }
0x82: {  	_ =	shalt  }
0x83: {  	_ =	shalt  }
0x84: {  	_ =	shalt  }
0x85: {  	_ =	shalt  }
0x86: {  	_ =	shalt  }
0x87: {  	_ =	shalt  }
.Lfunc_end0:
.L_simem_size_0:
called_computation_lowered:
.L_overlay_start_0:
0x88: {  	s2 =	sld [smem:$0x3FD9]  }
0x89: {  	s3 =	sld [smem:$0x3FFE];
	_ =	sdelay $0x1  }
0x8a: {  	s1 =	srdreg.scid  }
0x8b: {  	s0 =	sand.u32 $0x1, s1  }
0x8c: {  	s17 =	sshll.u32 s0, $0xA;
	s2 =	sadd.s32 s3, s2  }
0x8d: {  	s2 =	sadd.s32 s2, s17  }
0x8e: {  	[smem:$0x3FC4] =	sst s2  }
0x8f: {  	_ = 	snop  }
0x90: {  	s2 =	sld [smem:$0x3FD0];
	(tm) =	ssettm $0x1  }
0x91: {  	s18 =	sld [smem:$0x3FFB];
	_ =	sdelay $0x3  }
0x92: {  	_ =	strace s18  }
0x93: {  	s3 =	sld [smem:$0x3FFC];
	_ =	sdelay $0x3  }
0x94: {  	_ =	strace s3  }
0x95: {  	s3 =	sld [smem:$0x3FFD];
	_ =	sdelay $0x3  }
0x96: {  	_ =	strace s3  }
0x97: {  	_ =	strace $0x8FFFFFFF  }
0x98: {  	s19 =	sld [smem:$0x3FDB];
	_ =	sdelay $0x1  }
0x99: {  	s4 =	simm.s32 $_scs_section_size  }
0x9a: {  	s5 =	simm.s32 $_size__tile_overlayer_lowered;
	s6 =	simm.s32 $_tile_overlayer_lowered  }
0x9b: {  	s22 =	simm.s32 $0x1BFF;
	s21 =	sshll.u32 s6, $0x1;
	s3 =	sadd.s32 s4, s19  }
0x9c: {  	s7 =	simm.s32 $0x0;
	s20 =	sshll.u32 s5, $0x1;
	s5 =	sadd.s32 s21, s3  }
0x9d: {  	[timem:s7], [sflag:s22] =	dma.local [hbm:s5], s20  }
0x9e: {  	_ =	swait.ge [sflag:s22], s20  }
0x9f: {  	s4 =	ssub.s32 $0x0, s20;
	[sflag:s22] =	ssyncset.done $0x0  }
0xa0: {  	[sflag:s22] =	ssyncadd.s32 s4;
	_ =	sdelay $0x1  }
0xa1: {  	s23 =	simm.s32 $0x1B8B  }
0xa2: {  	_ =	swait.ge [sflag:s23], $0x1  }
0xa3: {  	[sflag:s23] =	ssyncset.done $0x0  }
0xa4: {  	s25 =	simm.s32 $0x1B8E;
	s24 =	sld [smem:$0x3FFE];
	[sflag:s23] =	ssyncadd.s32 $0xFFFFFFFF  }
0xa5: {  	s26 =	simm.s32 $execute0_lowered;
	[smem:$0x3FD2] =	sst s25  }
0xa6: {  	s5 =	sshll.u32 s26, $0x1;
	_ =	strace $0x80000046;
	[dreg:$0x1] =	wrdreg $0xFFFFFFFF  }
0xa7: {  	s28 =	simm.s32 $_size_execute0_lowered;
	s3 =	sadd.s32 s3, s5;
	[dreg:$0x0] =	wrdreg $0x0  }
0xa8: {  	s5 =	sshll.u32 s28, $0x1;
	[dreg:$0x2] =	wrdreg s3  }
0xa9: {  	[dreg:$0x3] =	wrdreg s5  }
0xaa: {  	[dreg:$0x4] =	wrdreg $0xC0  }
0xab: {  	_ =	task [dreg:s7], $0x5FFFF  }
0xac: {  	[dreg:$0x1] =	wrdreg $0xFFFFFFFF  }
0xad: {  	[dreg:$0x0] =	wrdreg $0x60  }
0xae: {  	[dreg:$0x2] =	wrdreg s2  }
0xaf: {  	[dreg:$0x3] =	wrdreg s24  }
0xb0: {  	[dreg:$0x4] =	wrdreg $0x85500  }
0xb1: {  	[dreg:$0x5] =	wrdreg $0x9  }
0xb2: {  	_ =	task.clear_ibuf [dreg:s7], $0x6FFFF;
	_ =	strace $0x90000046  }
0xb3: {  	s29 =	simm.s32 $0x9;
	_ =	strace $0x80000048  }
0xb4: {  	_ =	swait.ge [sflag:s29], $0x1  }
0xb5: {  	[sflag:s29] =	ssyncadd.s32 $0xFFFFFFFF  }
0xb6: {  	_ =	strace $0x90000048  }
0xb7: {  	_ =	sfence  }
0xb8: {  	s30 =	sld [smem:$0x0];
	_ =	sdelay $0x2  }
0xb9: {  	s31 =	sshll.u32 s1, $0xD;
	s1 =	sshrl.u32 s1, $0x2  }
0xba: {  	s3 =	sand.u32 $0x4000, s31;
	s1 =	sadd.s32 s1, s30  }
0xbb: {  	s0 =	sor.u32 s3, s0;
	s1 =	sshll.u32 s1, $0x11  }
0xbc: {  	s0 =	sor.u32 s1, s0  }
0xbd: {  	s0 =	sadd.s32 $0x8F2B, s0  }
0xbe: {  	[sflag:s0] =	ssyncadd.remote.s32 $0x1  }
0xbf: {  	_ =	sfence.sel $0xFFFF  }
0xc0: {  	[dreg:$0x0] =	wrdreg $0xFFFFFFFF;
	(pc) =	sbr.abs _section_cstart, $3  }
0xc1: {  	[dreg:$0x1] =	wrdreg $0xFFFFFFFF  }
0xc2: {  	_ =	task.clear_ibuf [dreg:s7], $0x2FFFF;
	_ =	strace $0x9FFFFFFF  }
0xc3: {  	(tm) =	ssettm $0x7FFFFFFF  }
tec
execute0_lowered:
.L_overlay_start_1:
0x0: {  	(tag) =	ssettag $0x1  }
0x1: {  	s4 =	rddreg [dreg:$0x0]  }
0x2: {  	s5 =	rddreg [dreg:$0x1]  }
0x3: {  	s1 =	rddreg [dreg:$0x2]  }
0x4: {  	v0 =	vimm.s32 $0x32107654;
	s0 =	rddreg [dreg:$0x3];
	s2 =	simm.s32 $0x0;
	v1 =	vimm.s32 $0x13121110  }
0x5: {  	s3 =	srdreg.scid;
	s8 =	stileid.u32;
	v2 =	vimm.s32 $0xB0A0908;
	v3 =	vimm.s32 $0xF0E0D0C;
	s11 =	simm.s32 $0x6C50  }
0x6: {  	v4 =	vimm.s32 $0x76543210;
	v5 =	vimm.s32 $0xFEDCBA98;
	s12 =	simm.s32 $0x1;
	s13 =	simm.s32 $0x5800;
	s14 =	simm.s32 $0x2;
	v0 =	vunpack.c.l.s4.s8 v0  }
0x7: {  	vm0 =	vcmask $0x2F10;
	v6 =	vimm.s32 $0x3020100;
	vm15 =	vcmask $0x3F30;
	s15 =	simm.s32 $0x57B0;
	s17 =	simm.s32 $0x0;
	[smem:$0x7FF] =	sst s2  }
0x8: {  	vm1 =	vcmask $0x1F10;
	s3 =	sand.u32 $0x1, s3;
	v1 =	vunpack.c.0.s8.s32 v1;
	s6 =	sshll.u32 s8, $0xA;
	p0 =	sne.s32 s8, $0x0;
	v0 =	vunpack.c.0.s8.s32 v0  }
0x9: {  	v2 =	vunpack.c.0.s8.s32 v2;
	v4 =	vunpack.c.l.s4.s8 v4;
	v5 =	vunpack.c.l.s4.s8 v5;
	s8 =	simm.s32 $0x50;
	_ =	strace $0x80000047;
	s7 =	sshll.u32 s3, $0x9  }
0xa: {  	v3 =	vunpack.c.0.s8.s32 v3;
	v6 =	vunpack.c.0.s8.s32 v6;
	s9 =	smul.u32 $0xA0, s3;
	s10 =	ssub.s32 $0x2, s3;
	s3 =	sadd.s32 $0xF42E00, s5;
	v0 =	vand.u32 $0xF, v0  }
0xb: {  	s16 =	sshrl.u32 @!p0 s1, $0x3;
	s30 =	sor.u32 s7, s6;
	s31 =	sshrl.u32 s10, $0x1;
	v4 =	vunpack.c.0.s8.s32 v4;
	v5 =	vunpack.c.0.s8.s32 v5;
	v0 =	vsel vm0, v0, v1  }
0xc: {  	s7 =	smul.u32 $0x3, s30;
	s5 =	sadd.s32 s9, s5;
	s6 =	ssub.s32 s10, s31;
	v0 =	vsel vm15, v2, v0;
	v2 =	vsel vm1, v1, v3;
	v3 =	vsel vm1, v6, v1  }
0xd: {  	s9 =	simm.s32 $0x3000;
	s10 =	simm.s32 $0x5850;
	s5 =	sadd.s32 $0xA00, s5;
	v1 =	vlaneseq.u32;
	v2 =	vcombine.low v2, v4;
	v4 =	vand.u32 $0xF, v5  }
0xe: {  	s6 =	smax.u32 s6, $0x1;
	s4 =	sadd.s32 s4, s7;
	s7 =	simm.s32 $0x3;
	v5 =	vimm.f32 $0.0e+00;
	v3 =	vcombine.low v4, v3;
	v4 =	vadd.s32 $0x4, v1  }
.LBB2_1:
0xf: {  	[tilespmem:s2], [sflag:$0x3] =	stream.linear.gather [hbm4b:s4+s2], $0x3000, $0x38;
	[tilespmem:$0x85A0] =	vst v63  }
0x10: {  	_ =	swait.ge [sflag:s7], $0x3000  }
0x11: {  	[sflag:s7] =	ssyncset.done $0x0  }
0x12: {  	s18 =	simm.s32 $0x4;
	[sflag:s7] =	ssyncadd.s32 $0xFFFFD000  }
0x13: {  	v6 =	vld [tilespmem:s18+$0xFFFFFFFC]  }
0x14: {  	s19 =	simm.s32 $0x50;
	s20 =	simm.s32 $0x0;
	v7 =	vld [tilespmem:s18+$0x0]  }
.LBB2_2:
0x15: {  	p1 =	sne.s32 s19, $0x9FB0;
	_ =	sdelay $0x1  }
.Ltmp0:
0x16: {  	s21 =	sshra.s32 s20, $0x2;
	s20 =	smov.u32 s19;
	(pc) =	sbr.rel @p1 .LBB2_2-.Ltmp0, $4  }
0x17: {  	[tilespmem:s21+$0x3000] =	vst v6  }
0x18: {  	s18 =	sadd.s32 $0x18, s18;
	[tilespmem:s21+$0x3004] =	vst v7  }
0x19: {  	v6 =	vld [tilespmem:s18+$0xFFFFFFFC]  }
0x1a: {  	s19 =	sadd.s32 $0x50, s19;
	v7 =	vld [tilespmem:s18+$0x0]  }
0x1b: {  	_ =	sdelay $0x1  }
0x1c: {  	s18 =	sshra.s32 s20, $0x2  }
0x1d: {  	[tilespmem:s18+$0x3000] =	vst v6  }
0x1e: {  	[tilespmem:s18+$0x3004] =	vst v7  }
0x1f: {  	[tilespmem:$0x5800] =	vst v1  }
0x20: {  	[tilespmem:$0x5810] =	vst v0  }
0x21: {  	[tilespmem:$0x5820] =	vst v2  }
0x22: {  	[tilespmem:$0x5830] =	vst v3  }
0x23: {  	[tilespmem:$0x5840] =	vst v4  }
0x24: {  	[tilespmem:$0x8050] =	vst v5  }
0x25: {  	[tilespmem:$0x8060] =	vst v5  }
0x26: {  	[tilespmem:$0x8070] =	vst v5  }
0x27: {  	[tilespmem:$0x8080] =	vst v5  }
0x28: {  	[tilespmem:$0x8090] =	vst v5  }
0x29: {  	[tilespmem:$0x80A0] =	vst v5  }
0x2a: {  	[tilespmem:$0x80B0] =	vst v5  }
0x2b: {  	[tilespmem:$0x80C0] =	vst v5  }
0x2c: {  	[tilespmem:$0x80D0] =	vst v5  }
0x2d: {  	[tilespmem:$0x80E0] =	vst v5  }
0x2e: {  	[tilespmem:$0x80F0] =	vst v5  }
0x2f: {  	[tilespmem:$0x8100] =	vst v5  }
0x30: {  	[tilespmem:$0x8110] =	vst v5  }
0x31: {  	[tilespmem:$0x8120] =	vst v5  }
0x32: {  	[tilespmem:$0x8130] =	vst v5  }
0x33: {  	[tilespmem:$0x8140] =	vst v5  }
0x34: {  	[tilespmem:$0x8150] =	vst v5  }
0x35: {  	[tilespmem:$0x8160] =	vst v5  }
0x36: {  	[tilespmem:$0x8170] =	vst v5  }
0x37: {  	[tilespmem:$0x8180] =	vst v5  }
0x38: {  	[tilespmem:$0x8190] =	vst v5  }
0x39: {  	[tilespmem:$0x81A0] =	vst v5  }
0x3a: {  	[tilespmem:$0x81B0] =	vst v5  }
0x3b: {  	[tilespmem:$0x81C0] =	vst v5  }
0x3c: {  	[tilespmem:$0x81D0] =	vst v5  }
0x3d: {  	[tilespmem:$0x81E0] =	vst v5  }
0x3e: {  	[tilespmem:$0x81F0] =	vst v5  }
0x3f: {  	[tilespmem:$0x8200] =	vst v5  }
0x40: {  	[tilespmem:$0x8210] =	vst v5  }
0x41: {  	[tilespmem:$0x8220] =	vst v5  }
0x42: {  	[tilespmem:$0x8230] =	vst v5  }
0x43: {  	[tilespmem:$0x8240] =	vst v5  }
0x44: {  	[tilespmem:$0x8250] =	vst v5  }
0x45: {  	[tilespmem:$0x8260] =	vst v5  }
0x46: {  	[tilespmem:$0x8270] =	vst v5  }
0x47: {  	[tilespmem:$0x8280] =	vst v5  }
0x48: {  	[tilespmem:$0x8290] =	vst v5  }
0x49: {  	[tilespmem:$0x82A0] =	vst v5  }
0x4a: {  	[tilespmem:$0x82B0] =	vst v5  }
0x4b: {  	[tilespmem:$0x82C0] =	vst v5  }
0x4c: {  	[tilespmem:$0x82D0] =	vst v5  }
0x4d: {  	[tilespmem:$0x82E0] =	vst v5  }
0x4e: {  	[tilespmem:$0x82F0] =	vst v5  }
0x4f: {  	[tilespmem:$0x8300] =	vst v5  }
0x50: {  	[tilespmem:$0x8310] =	vst v5  }
0x51: {  	[tilespmem:$0x8320] =	vst v5  }
0x52: {  	[tilespmem:$0x8330] =	vst v5  }
0x53: {  	[tilespmem:$0x8340] =	vst v5  }
0x54: {  	[tilespmem:$0x8350] =	vst v5  }
0x55: {  	[tilespmem:$0x8360] =	vst v5  }
0x56: {  	[tilespmem:$0x8370] =	vst v5  }
0x57: {  	[tilespmem:$0x8380] =	vst v5  }
0x58: {  	[tilespmem:$0x8390] =	vst v5  }
0x59: {  	[tilespmem:$0x83A0] =	vst v5  }
0x5a: {  	[tilespmem:$0x83B0] =	vst v5  }
0x5b: {  	[tilespmem:$0x83C0] =	vst v5  }
0x5c: {  	[tilespmem:$0x83D0] =	vst v5  }
0x5d: {  	[tilespmem:$0x83E0] =	vst v5  }
0x5e: {  	[tilespmem:$0x83F0] =	vst v5  }
0x5f: {  	[tilespmem:$0x8400] =	vst v5  }
0x60: {  	[tilespmem:$0x8410] =	vst v5  }
0x61: {  	[tilespmem:$0x8420] =	vst v5  }
0x62: {  	[tilespmem:$0x8430] =	vst v5  }
0x63: {  	[tilespmem:$0x8440] =	vst v5  }
0x64: {  	[tilespmem:$0x8450] =	vst v5  }
0x65: {  	[tilespmem:$0x8460] =	vst v5  }
0x66: {  	[tilespmem:$0x8470] =	vst v5  }
0x67: {  	[tilespmem:$0x8480] =	vst v5  }
0x68: {  	[tilespmem:$0x8490] =	vst v5  }
0x69: {  	[tilespmem:$0x84A0] =	vst v5  }
0x6a: {  	[tilespmem:$0x84B0] =	vst v5  }
0x6b: {  	[tilespmem:$0x84C0] =	vst v5  }
0x6c: {  	[tilespmem:$0x84D0] =	vst v5  }
0x6d: {  	[tilespmem:$0x84E0] =	vst v5  }
0x6e: {  	[tilespmem:$0x84F0] =	vst v5  }
0x6f: {  	[tilespmem:$0x8500] =	vst v5  }
0x70: {  	[tilespmem:$0x8510] =	vst v5  }
0x71: {  	[tilespmem:$0x8520] =	vst v5  }
0x72: {  	[tilespmem:$0x8530] =	vst v5  }
0x73: {  	s18 =	simm.s32 @!p0 $0x8050;
	[tilespmem:$0x8540] =	vst v5  }
0x74: {  	[spmem:s1] =	stream.linear.scatter @!p0 [tilespmem:s18], [sflag:$0x3], $0x500, $0x38;
	[tilespmem:$0x85A0] =	vst v63  }
0x75: {  	s18 =	simm.s32 @!p0 $0x3  }
0x76: {  	_ =	swait.ge @!p0 [sflag:s18], $0x500  }
0x77: {  	[sflag:s18] =	ssyncset.done @!p0 $0x0  }
0x78: {  	[sflag:s18] =	ssyncadd.s32 @!p0 $0xFFFFFB00  }
0x79: {  	[bflag:$0x0] =	sbarrier.arrive $0xFFFF  }
0x7a: {  	[tilespmem:s10], [sflag:$0x1] =	stream.indirect.gather [hbm4b:s3+s8], $0x40, s9, s8, $0xb8;
	[tilespmem:$0x85A0] =	vst v63  }
0x7b: {  	s30 =	simm.s32 $0x3050  }
0x7c: {  	[tilespmem:s11], [sflag:$0x2] =	stream.indirect.gather [hbm4b:s3+s8], $0x40, s30, s8, $0xb8;
	[tilespmem:$0x85A0] =	vst v63  }
0x7d: {  	_ =	swait.ge [sflag:s12], $0x1400  }
0x7e: {  	[sflag:s12] =	ssyncset.done $0x0  }
0x7f: {  	[sflag:s12] =	ssyncadd.s32 $0xFFFFEC00  }
0x80: {  	[spmem:s1] =	stream.indirect.scatter.add.f32 [tilespmem:s10], [sflag:$0x3], $0x40, s13, s8, $0xb8;
	[tilespmem:$0x85A0] =	vst v63  }
0x81: {  	_ =	swait.ge [sflag:s7], $0x1400  }
0x82: {  	[sflag:s7] =	ssyncset.done $0x0  }
0x83: {  	s31 =	simm.s32 $0x30A0;
	[sflag:s7] =	ssyncadd.s32 $0xFFFFEC00  }
0x84: {  	[tilespmem:s10], [sflag:$0x1] =	stream.indirect.gather [hbm4b:s3+s8], $0x40, s31, s8, $0xb8;
	[tilespmem:$0x85A0] =	vst v63  }
0x85: {  	_ =	swait.ge [sflag:s14], $0x1400  }
0x86: {  	[sflag:s14] =	ssyncset.done $0x0  }
0x87: {  	[sflag:s14] =	ssyncadd.s32 $0xFFFFEC00  }
0x88: {  	[spmem:s1] =	stream.indirect.scatter.add.f32 [tilespmem:s11], [sflag:$0x3], $0x40, s13, s8, $0xb8;
	[tilespmem:$0x85A0] =	vst v63  }
0x89: {  	_ =	swait.ge [sflag:s7], $0x1400  }
0x8a: {  	s19 =	simm.s32 $0xFFFF6780;
	s18 =	simm.s32 $0xFFFFD940;
	[sflag:s7] =	ssyncset.done $0x0  }
.LBB2_4:
0x8b: {  	s20 =	sadd.s32 $0x57B0, s18  }
0x8c: {  	[sflag:s7] =	ssyncadd.s32 $0xFFFFEC00;
	s21 =	smov.u32 s19;
	s22 =	sadd.s32 $0x280, s19  }
0x8d: {  	[tilespmem:s11], [sflag:$0x2] =	stream.indirect.gather [hbm4b:s3+s8], $0x40, s20, s8, $0xb8;
	[tilespmem:$0x85A0] =	vst v63  }
0x8e: {  	p1 =	sne.s32 s19, $0xFFFFFD80;
	_ =	swait.ge [sflag:s12], $0x1400  }
0x8f: {  	[sflag:s12] =	ssyncset.done $0x0  }
0x90: {  	[sflag:s12] =	ssyncadd.s32 $0xFFFFEC00  }
0x91: {  	[spmem:s1] =	stream.indirect.scatter.add.f32 [tilespmem:s10], [sflag:$0x3], $0x40, s13, s8, $0xb8;
	[tilespmem:$0x85A0] =	vst v63  }
0x92: {  	_ =	swait.ge [sflag:s7], $0x1400  }
0x93: {  	[sflag:s7] =	ssyncset.done $0x0  }
0x94: {  	s18 =	sadd.s32 $0x5800, s18;
	[sflag:s7] =	ssyncadd.s32 $0xFFFFEC00  }
0x95: {  	[tilespmem:s10], [sflag:$0x1] =	stream.indirect.gather [hbm4b:s3+s8], $0x40, s18, s8, $0xb8;
	[tilespmem:$0x85A0] =	vst v63  }
0x96: {  	_ =	swait.ge [sflag:s14], $0x1400  }
.Ltmp1:
0x97: {  	[sflag:s14] =	ssyncset.done $0x0;
	(pc) =	sbr.rel @p1 .LBB2_4-.Ltmp1, $4  }
0x98: {  	[sflag:s14] =	ssyncadd.s32 $0xFFFFEC00  }
0x99: {  	[spmem:s1] =	stream.indirect.scatter.add.f32 [tilespmem:s11], [sflag:$0x3], $0x40, s13, s8, $0xb8;
	[tilespmem:$0x85A0] =	vst v63  }
0x9a: {  	_ =	swait.ge [sflag:s7], $0x1400  }
0x9b: {  	s19 =	smov.u32 s22;
	s18 =	sshra.s32 s21, $0x2;
	[sflag:s7] =	ssyncset.done $0x0  }
0x9c: {  	s19 =	sadd.s32 $0x57B0, s18;
	[sflag:s7] =	ssyncadd.s32 $0xFFFFEC00  }
0x9d: {  	[tilespmem:s11], [sflag:$0x2] =	stream.indirect.gather [hbm4b:s3+s8], $0x40, s19, s8, $0xb8;
	[tilespmem:$0x85A0] =	vst v63  }
0x9e: {  	_ =	swait.ge [sflag:s12], $0x1400  }
0x9f: {  	[sflag:s12] =	ssyncset.done $0x0  }
0xa0: {  	[sflag:s12] =	ssyncadd.s32 $0xFFFFEC00  }
0xa1: {  	[spmem:s1] =	stream.indirect.scatter.add.f32 [tilespmem:s10], [sflag:$0x3], $0x40, s13, s8, $0xb8;
	[tilespmem:$0x85A0] =	vst v63  }
0xa2: {  	_ =	swait.ge [sflag:s7], $0x1400  }
0xa3: {  	[sflag:s7] =	ssyncset.done $0x0  }
0xa4: {  	s31 =	sadd.s32 $0x5800, s18;
	[sflag:s7] =	ssyncadd.s32 $0xFFFFEC00  }
0xa5: {  	[tilespmem:s10], [sflag:$0x1] =	stream.indirect.gather [hbm4b:s3+s8], $0x40, s31, s8, $0xb8;
	[tilespmem:$0x85A0] =	vst v63  }
0xa6: {  	_ =	swait.ge [sflag:s14], $0x1400  }
0xa7: {  	[sflag:s14] =	ssyncset.done $0x0  }
0xa8: {  	[sflag:s14] =	ssyncadd.s32 $0xFFFFEC00  }
0xa9: {  	[spmem:s1] =	stream.indirect.scatter.add.f32 [tilespmem:s11], [sflag:$0x3], $0x40, s13, s8, $0xb8;
	[tilespmem:$0x85A0] =	vst v63  }
0xaa: {  	_ =	swait.ge [sflag:s7], $0x1400  }
0xab: {  	[sflag:s7] =	ssyncset.done $0x0  }
0xac: {  	[sflag:s7] =	ssyncadd.s32 $0xFFFFEC00  }
0xad: {  	[tilespmem:s11], [sflag:$0x2] =	stream.indirect.gather [hbm4b:s3+s8], $0x40, s15, s8, $0xb8;
	[tilespmem:$0x85A0] =	vst v63  }
0xae: {  	_ =	swait.ge [sflag:s12], $0x1400  }
0xaf: {  	[sflag:s12] =	ssyncset.done $0x0  }
0xb0: {  	[sflag:s12] =	ssyncadd.s32 $0xFFFFEC00  }
0xb1: {  	[spmem:s1] =	stream.indirect.scatter.add.f32 [tilespmem:s10], [sflag:$0x3], $0x40, s13, s8, $0xb8;
	[tilespmem:$0x85A0] =	vst v63  }
0xb2: {  	_ =	swait.ge [sflag:s7], $0x1400  }
0xb3: {  	[sflag:s7] =	ssyncset.done $0x0  }
0xb4: {  	[sflag:s7] =	ssyncadd.s32 $0xFFFFEC00  }
0xb5: {  	_ =	swait.ge [sflag:s14], $0x1400  }
0xb6: {  	[sflag:s14] =	ssyncset.done $0x0  }
0xb7: {  	[sflag:s14] =	ssyncadd.s32 $0xFFFFEC00  }
0xb8: {  	[spmem:s1] =	stream.indirect.scatter.add.f32 [tilespmem:s11], [sflag:$0x3], $0x40, s13, s8, $0xb8;
	[tilespmem:$0x85A0] =	vst v63  }
0xb9: {  	_ =	swait.ge [sflag:s7], $0x1400  }
0xba: {  	[sflag:s7] =	ssyncset.done $0x0  }
0xbb: {  	s17 =	sadd.s32 $0x1, s17;
	[sflag:s7] =	ssyncadd.s32 $0xFFFFEC00  }
0xbc: {  	s18 =	simm.s32 @!p0 $0x1C03;
	p1 =	sne.s32 s17, s6;
	[bflag:$0x0] =	sbarrier.arrive $0xFFFF  }
0xbd: {  	[hbm:s5], [sflag:s18] =	dma.local @!p0 [spmem:s16], $0xA0  }
.Ltmp2:
0xbe: {  	_ = 	snop;
	(pc) =	sbr.rel @p1 .LBB2_1-.Ltmp2, $4  }
0xbf: {  	s18 =	simm.s32 @!p0 $0x3  }
0xc0: {  	_ =	swait.ge @!p0 [sflag:s18], $0xA0  }
0xc1: {  	[sflag:s18] =	ssyncset.done @!p0 $0x0  }
0xc2: {  	[sflag:s18] =	ssyncadd.s32 @!p0 $0xFFFFFF60  }
0xc3: {  	_ =	sfence.sel $0x180000  }
0xc4: {  	[bflag:$0x0] =	sbarrier.arrive $0xFFFF  }
0xc5: {  	_ =	strace $0x90000047  }
0xc6: {  	s0 =	sadd.s32 @!p0 $0x100000, s0;
	[bflag:$0x2] =	sbarrier.arrive $0xFFFF  }
0xc7: {  	[sflag:s0] =	ssyncadd.tile.s32 @!p0 $0x1;
	_ =	shalt  }
.Lfunc_end2:
_tile_overlayer_lowered:
.L_overlay_start_2:
0xc8: {  	(tag) =	ssettag $0x2  }
0xc9: {  	s0 =	rddreg [dreg:$0x0];
	s2 =	stileid.u32  }
0xca: {  	s1 =	rddreg [dreg:$0x1];
	p0 =	sne.s32 s2, $0x0  }
0xcb: {  	s3 =	rddreg [dreg:$0x2];
	[bflag:$0x3] =	sbarrier.arrive $0xFFFF;
	s2 =	simm.s32 @!p0 $0x1C03  }
0xcc: {  	[timem:s3], [sflag:s2] =	dma.local @!p0 [hbm:s0], s1  }
0xcd: {  	s0 =	simm.s32 @!p0 $0x3  }
0xce: {  	_ =	swait.ge @!p0 [sflag:s0], s1  }
0xcf: {  	s1 =	ssub.s32 @!p0 $0x0, s1;
	[sflag:s0] =	ssyncset.done @!p0 $0x0  }
0xd0: {  	[sflag:s0] =	ssyncadd.s32 @!p0 s1  }
0xd1: {  	[bflag:$0x3] =	sbarrier.arrive $0xFFFF  }
0xd2: {  	_ =	shalt  }

</sc_bundles>
